<compile_context>
chip_gen: v7x
topology: tpu7x:2x2x1
jax: 0.10.2.dev20260603
libtpu: 0.0.44.dev20260713+nightly
codegen_flags: <defaults>
</compile_context>

<pallas_src>
import functools

import jax
import jax.numpy as jnp
from jax import lax
from jax.experimental import pallas as pl
from jax.experimental.pallas import tpu as pltpu
from jax.experimental.pallas import tpu_sc as plsc

N = 10000
E = 320000
D = 128
FH = D // 2

NC = 2
NS = 16
CHUNK = 128
EPAD = 327680
NCHUNKS = EPAD // CHUNK
CPT = NCHUNKS // NS
NPAD = 12800
ZPT = NPAD // NS
ZROWS = 80
DGW = 16

_mesh = plsc.VectorSubcoreMesh(core_axis_name="c", subcore_axis_name="s")


def _sc_agg_body(with_deg, *refs):
    if with_deg:
        (src_hbm, dst_hbm, x_hbm, agg_hbm, deg_hbm,
         srcb, dstb, rows0, rows1, ones, zbuf, zbufd, aggs, degs) = refs
    else:
        (src_hbm, dst_hbm, x_hbm, agg_hbm,
         srcb, dstb, rows0, rows1, zbuf, aggs) = refs

    cid = lax.axis_index("c")
    sid = lax.axis_index("s")

    zvec = jnp.zeros((16,), jnp.float32)

    @pl.loop(0, ZROWS)
    def _(r):
        @pl.loop(0, FH, step=16)
        def _(c):
            zbuf[r, pl.ds(c, 16)] = zvec

    if with_deg:
        lanes = lax.iota(jnp.int32, 16)
        onerow = jnp.where(lanes == 0, 1.0, 0.0).astype(jnp.float32)

        @pl.loop(0, CHUNK)
        def _(r):
            ones[r, pl.ds(0, 16)] = onerow

        @pl.loop(0, ZROWS)
        def _(r):
            zbufd[r, pl.ds(0, 16)] = zvec

    zbase = sid * ZPT

    @pl.loop(0, ZPT, step=ZROWS)
    def _(r):
        pltpu.sync_copy(zbuf, aggs.at[pl.ds(zbase + r, ZROWS)])

    if with_deg:
        @pl.loop(0, ZPT, step=ZROWS)
        def _(r):
            pltpu.sync_copy(zbufd, degs.at[pl.ds(zbase + r, ZROWS)])

    plsc.subcore_barrier()

    c0 = sid * CPT
    pltpu.sync_copy(src_hbm.at[pl.ds(cid * NCHUNKS + c0, CPT)], srcb)
    pltpu.sync_copy(dst_hbm.at[pl.ds(c0, CPT)], dstb)

    bufs = (rows0, rows1)

    @functools.partial(pl.run_scoped,
                       gsem=pltpu.SemaphoreType.DMA(()),
                       ssem=pltpu.SemaphoreType.DMA(()))
    def _(gsem, ssem):
        def _gather(j, b):
            return pltpu.make_async_copy(x_hbm.at[srcb.at[j]],
                                         bufs[b], gsem)

        def _scat(j, b):
            return pltpu.make_async_copy(bufs[b], aggs.at[dstb.at[j]],
                                         ssem)

        _gather(0, 0).start()

        @pl.loop(0, CPT, step=2)
        def _(j0):
            for b in range(2):
                j = j0 + b
                _gather(j, b).wait()

                @pl.when(j + 1 < CPT)
                def _():
                    _gather(j + 1, 1 - b).start()

                pltpu.sync_copy(bufs[b], aggs.at[dstb.at[j]], add=True)
                if with_deg:
                    pltpu.sync_copy(ones, degs.at[dstb.at[j]], add=True)

    plsc.subcore_barrier()

    obase = sid * ZPT
    pltpu.sync_copy(aggs.at[pl.ds(obase, ZPT)],
                    agg_hbm.at[pl.ds(cid * NPAD + obase, ZPT)])
    if with_deg:
        pltpu.sync_copy(degs.at[pl.ds(obase, ZPT)],
                        deg_hbm.at[pl.ds(cid * NPAD + obase, ZPT)])


def _make_sc_agg(with_deg):
    out_type = [jax.ShapeDtypeStruct((NC * NPAD, FH), jnp.float32)]
    scratch = [
        pltpu.VMEM((CPT, CHUNK), jnp.int32),
        pltpu.VMEM((CPT, CHUNK), jnp.int32),
        pltpu.VMEM((CHUNK, FH), jnp.float32),
        pltpu.VMEM((CHUNK, FH), jnp.float32),
    ]
    if with_deg:
        out_type.append(jax.ShapeDtypeStruct((NC * NPAD, DGW), jnp.float32))
        scratch.append(pltpu.VMEM((CHUNK, DGW), jnp.float32))
    scratch.append(pltpu.VMEM((ZROWS, FH), jnp.float32))
    if with_deg:
        scratch.append(pltpu.VMEM((ZROWS, DGW), jnp.float32))
    scratch.append(pltpu.VMEM_SHARED((NPAD, FH), jnp.float32))
    if with_deg:
        scratch.append(pltpu.VMEM_SHARED((NPAD, DGW), jnp.float32))
    return pl.kernel(
        functools.partial(_sc_agg_body, with_deg),
        out_type=out_type,
        mesh=_mesh,
        scratch_types=scratch,
        compiler_params=pltpu.CompilerParams(use_tc_tiling_on_sc=False),
    )


_sc_agg_deg = _make_sc_agg(True)
_sc_agg = _make_sc_agg(False)


BR = 400
GRID = N // BR
POFF = NPAD // BR


def _dense1_body(p0, p1, g0, x, w1lt, b1l, w1rt, o0, o1):
    deg = jnp.maximum(g0[:, 0:1], 1.0)
    agg = jnp.concatenate([p0[...], p1[...]], axis=1) / deg
    hi = jax.lax.Precision.DEFAULT
    acc = jnp.dot(agg, w1lt[...], preferred_element_type=jnp.float32,
                  precision=hi)
    acc += jnp.dot(x[...], w1rt[...], preferred_element_type=jnp.float32,
                   precision=hi)
    h = jnp.maximum(acc + b1l[...], 0.0)
    o0[...] = h[:, :FH]
    o1[...] = h[:, FH:]


def _dense2_body(p0, p1, g0, h0, h1, w2lt, b2l, w2rt, wm1t, bm1, wm2t,
                 bm2, o):
    deg = jnp.maximum(g0[:, 0:1], 1.0)
    agg = jnp.concatenate([p0[...], p1[...]], axis=1) / deg
    h = jnp.concatenate([h0[...], h1[...]], axis=1)
    hi = jax.lax.Precision.DEFAULT
    acc = jnp.dot(agg, w2lt[...], preferred_element_type=jnp.float32,
                  precision=hi)
    acc += jnp.dot(h, w2rt[...], preferred_element_type=jnp.float32,
                   precision=hi)
    t = jnp.maximum(acc + b2l[...], 0.0)
    u = jnp.maximum(jnp.dot(t, wm1t[...], preferred_element_type=jnp.float32,
                            precision=hi) + bm1[...], 0.0)
    o[...] = jnp.dot(u, wm2t[...], preferred_element_type=jnp.float32,
                     precision=hi) + bm2[...]


def _row_spec(shape, off=0):
    return pl.BlockSpec((BR,) + shape[1:], lambda i, _o=off: (i + _o, 0))


def _full_spec(shape):
    return pl.BlockSpec(shape, lambda i: (0, 0))


_dense1 = pl.pallas_call(
    _dense1_body,
    grid=(GRID,),
    in_specs=[
        _row_spec((BR, FH)), _row_spec((BR, FH), POFF),
        _row_spec((BR, DGW)),
        _row_spec((BR, D)),
        _full_spec((D, D)), _full_spec((1, D)), _full_spec((D, D)),
    ],
    out_specs=[_row_spec((BR, FH)), _row_spec((BR, FH))],
    out_shape=[jax.ShapeDtypeStruct((N, FH), jnp.float32),
               jax.ShapeDtypeStruct((N, FH), jnp.float32)],
)

_dense2 = pl.pallas_call(
    _dense2_body,
    grid=(GRID,),
    in_specs=[
        _row_spec((BR, FH)), _row_spec((BR, FH), POFF),
        _row_spec((BR, DGW)),
        _row_spec((BR, FH)), _row_spec((BR, FH)),
        _full_spec((D, D)), _full_spec((1, D)), _full_spec((D, D)),
        _full_spec((D, D)), _full_spec((1, D)),
        _full_spec((D, 1)), _full_spec((1, 1)),
    ],
    out_specs=_row_spec((BR, 1)),
    out_shape=jax.ShapeDtypeStruct((N, 1), jnp.float32),
)


def kernel(x, edge_index, W1l, b1l, W1r, W2l, b2l, W2r, Wm1, bm1, Wm2, bm2):
    src = edge_index[0]
    dst = edge_index[1]
    npad = EPAD - E
    pad_src = jnp.arange(npad, dtype=jnp.int32) % N
    pad_dst = N + (jnp.arange(npad, dtype=jnp.int32) % (NPAD - N))
    srcp = jnp.concatenate([src, pad_src])
    src2 = jnp.concatenate([srcp, srcp + N]).reshape(NC * NCHUNKS, CHUNK)
    dst2 = jnp.concatenate([dst, pad_dst]).reshape(NCHUNKS, CHUNK)

    xt = jnp.concatenate([x[:, :FH], x[:, FH:]], axis=0)
    aggp1, degp = _sc_agg_deg(src2, dst2, xt)
    h0, h1 = _dense1(aggp1, aggp1, degp, x,
                     W1l.T, b1l.reshape(1, D), W1r.T)
    ht = jnp.concatenate([h0, h1], axis=0)
    res = _sc_agg(src2, dst2, ht)
    aggp2 = res[0] if isinstance(res, (list, tuple)) else res
    out = _dense2(aggp2, aggp2, degp, h0, h1,
                  W2l.T, b2l.reshape(1, D), W2r.T,
                  Wm1.T, bm1.reshape(1, D), Wm2.T, bm2.reshape(1, 1))
    return out.reshape(N)

# --- scband reference (transcript-rebuilt; emitter-appended) ---
"""Pipeline reference for scband-graph-sagebinary-33440615367324 (READ-ONLY COPY).

The authoritative reference and input builder live on the scoring server;
editing this copy changes nothing except your own understanding.
"""

import jax, jax.numpy as jnp
import numpy as np

N = 10000
E = 320000
D = 128
H = 128


def setup_inputs(seed: int = 0) -> dict:
    key = jax.random.key(seed)
    ks = jax.random.split(key, 13)
    x = jax.random.normal(ks[0], (N, D), dtype=jnp.float32)
    edge_index = jax.random.randint(ks[1], (2, E), 0, N, dtype=jnp.int32)
    s1 = 1.0 / np.sqrt(D)
    s2 = 1.0 / np.sqrt(H)
    # SAGEConv 1: lin_l (applied to aggregated neighbors, bias=True), lin_r (root, bias=False)
    W1l = jax.random.normal(ks[2], (H, D), dtype=jnp.float32) * s1
    b1l = jnp.zeros((H,), dtype=jnp.float32)
    W1r = jax.random.normal(ks[3], (H, D), dtype=jnp.float32) * s1
    # SAGEConv 2
    W2l = jax.random.normal(ks[4], (H, H), dtype=jnp.float32) * s2
    b2l = jnp.zeros((H,), dtype=jnp.float32)
    W2r = jax.random.normal(ks[5], (H, H), dtype=jnp.float32) * s2
    # MLP head: Linear(H,H) -> ReLU -> Dropout -> Linear(H,1)
    Wm1 = jax.random.normal(ks[6], (H, H), dtype=jnp.float32) * s2
    bm1 = jnp.zeros((H,), dtype=jnp.float32)
    Wm2 = jax.random.normal(ks[7], (1, H), dtype=jnp.float32) * s2
    bm2 = jnp.zeros((1,), dtype=jnp.float32)
    return {
        "x": x, "edge_index": edge_index,
        "W1l": W1l, "b1l": b1l, "W1r": W1r,
        "W2l": W2l, "b2l": b2l, "W2r": W2r,
        "Wm1": Wm1, "bm1": bm1, "Wm2": Wm2, "bm2": bm2,
    }


def _sage_conv(x, edge_index, Wl, bl, Wr):
    # PyG SAGEConv with mean aggregation (default):
    # out = lin_l(mean_{j in N(i)} x_j) + lin_r(x_i)
    src = edge_index[0]
    dst = edge_index[1]
    msg = jnp.take(x, src, axis=0)              # gather (SparseCore)
    agg = jax.ops.segment_sum(msg, dst, num_segments=N)  # scatter-add
    deg = jax.ops.segment_sum(jnp.ones((edge_index.shape[1],), x.dtype), dst, num_segments=N)
    agg = agg / jnp.clip(deg, 1.0)[:, None]
    return agg @ Wl.T + bl + x @ Wr.T


def reference(x, edge_index, W1l, b1l, W1r, W2l, b2l, W2r, Wm1, bm1, Wm2, bm2):
    h = _sage_conv(x, edge_index, W1l, b1l, W1r)
    h = jax.nn.relu(h)
    # dropout is identity in eval mode
    h = _sage_conv(h, edge_index, W2l, b2l, W2r)
    h = jax.nn.relu(h)
    h = jax.nn.relu(h @ Wm1.T + bm1)
    logits = (h @ Wm2.T + bm2).squeeze(-1)
    return logits

if __name__ == "__main__":
    import jax
    _d = setup_inputs()
    print(jax.jit(kernel)(*tuple(_d.values())))

</pallas_src>

<mosaic_0001>
#map = affine_map<(d0, d1) -> (0, 0)>
module attributes {stable_mosaic.version = 14 : i64} {
  func.func @_sc_agg_body(%arg0: i32, %arg1: i32, %arg2: memref<5120x128xi32, #tpu.memory_space<hbm>>, %arg3: memref<2560x128xi32, #tpu.memory_space<hbm>>, %arg4: memref<20000x64xf32, #tpu.memory_space<hbm>>, %arg5: memref<25600x64xf32, #tpu.memory_space<hbm>>, %arg6: memref<25600x16xf32, #tpu.memory_space<hbm>>, %arg7: memref<160x128xi32, #tpu.memory_space<vmem>>, %arg8: memref<160x128xi32, #tpu.memory_space<vmem>>, %arg9: memref<128x64xf32, #tpu.memory_space<vmem>>, %arg10: memref<128x64xf32, #tpu.memory_space<vmem>>, %arg11: memref<128x16xf32, #tpu.memory_space<vmem>>, %arg12: memref<80x64xf32, #tpu.memory_space<vmem>>, %arg13: memref<80x16xf32, #tpu.memory_space<vmem>>, %arg14: memref<12800x64xf32, #tpu.memory_space<vmem_shared>>, %arg15: memref<12800x16xf32, #tpu.memory_space<vmem_shared>>) attributes {dimension_semantics = [#tpu.dimension_semantics<core_parallel>, #tpu.dimension_semantics<subcore_parallel>], iteration_bounds = array<i64: 2, 16>, scalar_prefetch = 0 : i64, scratch_operands = 9 : i64, tpu.core_type = #tpu.core_type<sc_vector_subcore>, window_params = [{transform_indices = #map}, {transform_indices = #map}, {transform_indices = #map}, {transform_indices = #map}, {transform_indices = #map}]} {
    %broadcast_in_dim3A = arith.constant 0.000000e+00 : f32
    %broadcast_in_dim3A_0 = vector.broadcast %broadcast_in_dim3A : f32 to vector<16xf32>
    %scan3A = arith.constant 0 : i32
    %scan3A_1 = arith.constant 80 : i32
    %scan3A_2 = arith.addi %scan3A, %scan3A_1 : i32
    %scan3A_3 = arith.constant 1 : i32
    scf.for %scan3A_44 = %scan3A to %scan3A_2 step %scan3A_3  : i32 {
      %mul3A_45 = arith.constant 1 : i32
      %mul3A_46 = arith.muli %scan3A_44, %mul3A_45 : i32
      %add3A_47 = arith.constant 0 : i32
      %add3A_48 = arith.addi %add3A_47, %mul3A_46 : i32
      %scan3A_49 = arith.constant 0 : i32
      %scan3A_50 = arith.constant 4 : i32
      %scan3A_51 = arith.addi %scan3A_49, %scan3A_50 : i32
      %scan3A_52 = arith.constant 1 : i32
      scf.for %scan3A_54 = %scan3A_49 to %scan3A_51 step %scan3A_52  : i32 {
        %mul3A_55 = arith.constant 16 : i32
        %mul3A_56 = arith.muli %scan3A_54, %mul3A_55 : i32
        %add3A_57 = arith.constant 0 : i32
        %add3A_58 = arith.addi %add3A_57, %mul3A_56 : i32
        %swap3A = arith.index_cast %add3A_48 : i32 to index
        %swap3A_59 = arith.index_cast %add3A_58 : i32 to index
        %swap3A_60 = tpu.vector_load %arg12[%swap3A, %swap3A_59] {strides = array<i32>} : memref<80x64xf32, #tpu.memory_space<vmem>>, vector<1x16xf32>,
        %swap3A_61 = vector.shape_cast %swap3A_60 : vector<1x16xf32> to vector<16xf32>
        %swap3A_62 = vector.shape_cast %broadcast_in_dim3A_0 : vector<16xf32> to vector<1x16xf32>
        tpu.vector_store %arg12[%swap3A, %swap3A_59], %swap3A_62 {strides = array<i32>} : memref<80x64xf32, #tpu.memory_space<vmem>>, vector<1x16xf32>,
      }
      %scan3A_53 = arith.constant 4 : i32
    }
    %scan3A_4 = arith.constant 80 : i32
    %iota3A = tpu.iota {dimensions = array<i32: 0>} : vector<16xi32>
    %eq3A = arith.constant 0 : i32
    %eq3A_5 = vector.broadcast %eq3A : i32 to vector<16xi32>
    %eq3A_6 = arith.cmpi eq, %iota3A, %eq3A_5 : vector<16xi32>
    %jit3A = arith.constant 1.000000e+00 : f32
    %jit3A_7 = arith.constant 0.000000e+00 : f32
    %broadcast_in_dim3A_8 = vector.broadcast %jit3A : f32 to vector<16xf32>
    %broadcast_in_dim3A_9 = vector.broadcast %jit3A_7 : f32 to vector<16xf32>
    %select_n3A = arith.select %eq3A_6, %broadcast_in_dim3A_8, %broadcast_in_dim3A_9 : vector<16xi1>, vector<16xf32>
    %scan3A_10 = arith.constant 0 : i32
    %scan3A_11 = arith.constant 128 : i32
    %scan3A_12 = arith.addi %scan3A_10, %scan3A_11 : i32
    %scan3A_13 = arith.constant 1 : i32
    scf.for %scan3A_44 = %scan3A_10 to %scan3A_12 step %scan3A_13  : i32 {
      %mul3A_45 = arith.constant 1 : i32
      %mul3A_46 = arith.muli %scan3A_44, %mul3A_45 : i32
      %add3A_47 = arith.constant 0 : i32
      %add3A_48 = arith.addi %add3A_47, %mul3A_46 : i32
      %swap3A = arith.index_cast %add3A_48 : i32 to index
      %swap3A_49 = arith.constant 0 : index
      %swap3A_50 = tpu.vector_load %arg11[%swap3A, %swap3A_49] {strides = array<i32>} : memref<128x16xf32, #tpu.memory_space<vmem>>, vector<1x16xf32>,
      %swap3A_51 = vector.shape_cast %swap3A_50 : vector<1x16xf32> to vector<16xf32>
      %swap3A_52 = vector.shape_cast %select_n3A : vector<16xf32> to vector<1x16xf32>
      tpu.vector_store %arg11[%swap3A, %swap3A_49], %swap3A_52 {strides = array<i32>} : memref<128x16xf32, #tpu.memory_space<vmem>>, vector<1x16xf32>,
    }
    %scan3A_14 = arith.constant 128 : i32
    %scan3A_15 = arith.constant 0 : i32
    %scan3A_16 = arith.constant 80 : i32
    %scan3A_17 = arith.addi %scan3A_15, %scan3A_16 : i32
    %scan3A_18 = arith.constant 1 : i32
    scf.for %scan3A_44 = %scan3A_15 to %scan3A_17 step %scan3A_18  : i32 {
      %mul3A_45 = arith.constant 1 : i32
      %mul3A_46 = arith.muli %scan3A_44, %mul3A_45 : i32
      %add3A_47 = arith.constant 0 : i32
      %add3A_48 = arith.addi %add3A_47, %mul3A_46 : i32
      %swap3A = arith.index_cast %add3A_48 : i32 to index
      %swap3A_49 = arith.constant 0 : index
      %swap3A_50 = tpu.vector_load %arg13[%swap3A, %swap3A_49] {strides = array<i32>} : memref<80x16xf32, #tpu.memory_space<vmem>>, vector<1x16xf32>,
      %swap3A_51 = vector.shape_cast %swap3A_50 : vector<1x16xf32> to vector<16xf32>
      %swap3A_52 = vector.shape_cast %broadcast_in_dim3A_0 : vector<16xf32> to vector<1x16xf32>
      tpu.vector_store %arg13[%swap3A, %swap3A_49], %swap3A_52 {strides = array<i32>} : memref<80x16xf32, #tpu.memory_space<vmem>>, vector<1x16xf32>,
    }
    %scan3A_19 = arith.constant 80 : i32
    %mul3A = arith.constant 800 : i32
    %mul3A_20 = arith.muli %arg1, %mul3A : i32
    %scan3A_21 = arith.constant 0 : i32
    %scan3A_22 = arith.constant 10 : i32
    %scan3A_23 = arith.addi %scan3A_21, %scan3A_22 : i32
    %scan3A_24 = arith.constant 1 : i32
    scf.for %scan3A_44 = %scan3A_21 to %scan3A_23 step %scan3A_24  : i32 {
      %mul3A_45 = arith.constant 80 : i32
      %mul3A_46 = arith.muli %scan3A_44, %mul3A_45 : i32
      %add3A_47 = arith.constant 0 : i32
      %add3A_48 = arith.addi %add3A_47, %mul3A_46 : i32
      %add3A_49 = arith.addi %mul3A_20, %add3A_48 : i32
      "tpu.region"() ({
        %run_scoped3A = tpu.sem_alloc : memref<!tpu.dma_semaphore, #tpu.memory_space<semaphore_mem>>
        %dma_start3A = arith.constant 0 : i32
        %dma_start3A_50 = tpu.memref_slice %arg14[%add3A_49, %dma_start3A] : memref<12800x64xf32, #tpu.memory_space<vmem_shared>> -> memref<80x64xf32, #tpu.memory_space<vmem_shared>>
        %dma_start3A_51 = arith.constant 0 : i32
        %dma_start3A_52 = tpu.memref_slice %arg14[%add3A_49, %dma_start3A_51] : memref<12800x64xf32, #tpu.memory_space<vmem_shared>> -> memref<80x64xf32, #tpu.memory_space<vmem_shared>>
        tpu.enqueue_dma source(%arg12 : memref<80x64xf32, #tpu.memory_space<vmem>>) target(%dma_start3A_52 : memref<80x64xf32, #tpu.memory_space<vmem_shared>>) target_semaphore(%run_scoped3A : memref<!tpu.dma_semaphore, #tpu.memory_space<semaphore_mem>>)
        %dma_wait3A = arith.constant 0 : i32
        %dma_wait3A_53 = tpu.memref_slice %arg14[%add3A_49, %dma_wait3A] : memref<12800x64xf32, #tpu.memory_space<vmem_shared>> -> memref<80x64xf32, #tpu.memory_space<vmem_shared>>
        %dma_wait3A_54 = arith.constant 0 : i32
        %dma_wait3A_55 = tpu.memref_slice %arg14[%add3A_49, %dma_wait3A_54] : memref<12800x64xf32, #tpu.memory_space<vmem_shared>> -> memref<80x64xf32, #tpu.memory_space<vmem_shared>>
        tpu.wait_dma2 semaphore(%run_scoped3A : memref<!tpu.dma_semaphore, #tpu.memory_space<semaphore_mem>>) src(%arg12 : memref<80x64xf32, #tpu.memory_space<vmem>>) dst(%dma_wait3A_55 : memref<80x64xf32, #tpu.memory_space<vmem_shared>>)
        tpu.yield
      }) : () -> ()
    }
    %scan3A_25 = arith.constant 10 : i32
    %scan3A_26 = arith.constant 0 : i32
    %scan3A_27 = arith.constant 10 : i32
    %scan3A_28 = arith.addi %scan3A_26, %scan3A_27 : i32
    %scan3A_29 = arith.constant 1 : i32
    scf.for %scan3A_44 = %scan3A_26 to %scan3A_28 step %scan3A_29  : i32 {
      %mul3A_45 = arith.constant 80 : i32
      %mul3A_46 = arith.muli %scan3A_44, %mul3A_45 : i32
      %add3A_47 = arith.constant 0 : i32
      %add3A_48 = arith.addi %add3A_47, %mul3A_46 : i32
      %add3A_49 = arith.addi %mul3A_20, %add3A_48 : i32
      "tpu.region"() ({
        %run_scoped3A = tpu.sem_alloc : memref<!tpu.dma_semaphore, #tpu.memory_space<semaphore_mem>>
        %dma_start3A = arith.constant 0 : i32
        %dma_start3A_50 = tpu.memref_slice %arg15[%add3A_49, %dma_start3A] : memref<12800x16xf32, #tpu.memory_space<vmem_shared>> -> memref<80x16xf32, #tpu.memory_space<vmem_shared>>
        %dma_start3A_51 = arith.constant 0 : i32
        %dma_start3A_52 = tpu.memref_slice %arg15[%add3A_49, %dma_start3A_51] : memref<12800x16xf32, #tpu.memory_space<vmem_shared>> -> memref<80x16xf32, #tpu.memory_space<vmem_shared>>
        tpu.enqueue_dma source(%arg13 : memref<80x16xf32, #tpu.memory_space<vmem>>) target(%dma_start3A_52 : memref<80x16xf32, #tpu.memory_space<vmem_shared>>) target_semaphore(%run_scoped3A : memref<!tpu.dma_semaphore, #tpu.memory_space<semaphore_mem>>)
        %dma_wait3A = arith.constant 0 : i32
        %dma_wait3A_53 = tpu.memref_slice %arg15[%add3A_49, %dma_wait3A] : memref<12800x16xf32, #tpu.memory_space<vmem_shared>> -> memref<80x16xf32, #tpu.memory_space<vmem_shared>>
        %dma_wait3A_54 = arith.constant 0 : i32
        %dma_wait3A_55 = tpu.memref_slice %arg15[%add3A_49, %dma_wait3A_54] : memref<12800x16xf32, #tpu.memory_space<vmem_shared>> -> memref<80x16xf32, #tpu.memory_space<vmem_shared>>
        tpu.wait_dma2 semaphore(%run_scoped3A : memref<!tpu.dma_semaphore, #tpu.memory_space<semaphore_mem>>) src(%arg13 : memref<80x16xf32, #tpu.memory_space<vmem>>) dst(%dma_wait3A_55 : memref<80x16xf32, #tpu.memory_space<vmem_shared>>)
        tpu.yield
      }) : () -> ()
    }
    %scan3A_30 = arith.constant 10 : i32
    %barrier3A = arith.constant 0 : index
    tpu.barrier barrier_id(%barrier3A)
    %mul3A_31 = arith.constant 160 : i32
    %mul3A_32 = arith.muli %arg1, %mul3A_31 : i32
    %mul3A_33 = arith.constant 2560 : i32
    %mul3A_34 = arith.muli %arg0, %mul3A_33 : i32
    %add3A = arith.addi %mul3A_34, %mul3A_32 : i32
    "tpu.region"() ({
      %run_scoped3A = tpu.sem_alloc : memref<!tpu.dma_semaphore, #tpu.memory_space<semaphore_mem>>
      %dma_start3A = arith.constant 0 : i32
      %dma_start3A_44 = tpu.memref_slice %arg2[%add3A, %dma_start3A] : memref<5120x128xi32, #tpu.memory_space<hbm>> -> memref<160x128xi32, #tpu.memory_space<hbm>>
      %dma_start3A_45 = arith.constant 0 : i32
      %dma_start3A_46 = tpu.memref_slice %arg2[%add3A, %dma_start3A_45] : memref<5120x128xi32, #tpu.memory_space<hbm>> -> memref<160x128xi32, #tpu.memory_space<hbm>>
      tpu.enqueue_dma source(%dma_start3A_46 : memref<160x128xi32, #tpu.memory_space<hbm>>) target(%arg7 : memref<160x128xi32, #tpu.memory_space<vmem>>) target_semaphore(%run_scoped3A : memref<!tpu.dma_semaphore, #tpu.memory_space<semaphore_mem>>)
      %dma_wait3A = arith.constant 0 : i32
      %dma_wait3A_47 = tpu.memref_slice %arg2[%add3A, %dma_wait3A] : memref<5120x128xi32, #tpu.memory_space<hbm>> -> memref<160x128xi32, #tpu.memory_space<hbm>>
      %dma_wait3A_48 = arith.constant 0 : i32
      %dma_wait3A_49 = tpu.memref_slice %arg2[%add3A, %dma_wait3A_48] : memref<5120x128xi32, #tpu.memory_space<hbm>> -> memref<160x128xi32, #tpu.memory_space<hbm>>
      tpu.wait_dma2 semaphore(%run_scoped3A : memref<!tpu.dma_semaphore, #tpu.memory_space<semaphore_mem>>) src(%dma_wait3A_49 : memref<160x128xi32, #tpu.memory_space<hbm>>) dst(%arg7 : memref<160x128xi32, #tpu.memory_space<vmem>>)
      tpu.yield
    }) : () -> ()
    "tpu.region"() ({
      %run_scoped3A = tpu.sem_alloc : memref<!tpu.dma_semaphore, #tpu.memory_space<semaphore_mem>>
      %dma_start3A = arith.constant 0 : i32
      %dma_start3A_44 = tpu.memref_slice %arg3[%mul3A_32, %dma_start3A] : memref<2560x128xi32, #tpu.memory_space<hbm>> -> memref<160x128xi32, #tpu.memory_space<hbm>>
      %dma_start3A_45 = arith.constant 0 : i32
      %dma_start3A_46 = tpu.memref_slice %arg3[%mul3A_32, %dma_start3A_45] : memref<2560x128xi32, #tpu.memory_space<hbm>> -> memref<160x128xi32, #tpu.memory_space<hbm>>
      tpu.enqueue_dma source(%dma_start3A_46 : memref<160x128xi32, #tpu.memory_space<hbm>>) target(%arg8 : memref<160x128xi32, #tpu.memory_space<vmem>>) target_semaphore(%run_scoped3A : memref<!tpu.dma_semaphore, #tpu.memory_space<semaphore_mem>>)
      %dma_wait3A = arith.constant 0 : i32
      %dma_wait3A_47 = tpu.memref_slice %arg3[%mul3A_32, %dma_wait3A] : memref<2560x128xi32, #tpu.memory_space<hbm>> -> memref<160x128xi32, #tpu.memory_space<hbm>>
      %dma_wait3A_48 = arith.constant 0 : i32
      %dma_wait3A_49 = tpu.memref_slice %arg3[%mul3A_32, %dma_wait3A_48] : memref<2560x128xi32, #tpu.memory_space<hbm>> -> memref<160x128xi32, #tpu.memory_space<hbm>>
      tpu.wait_dma2 semaphore(%run_scoped3A : memref<!tpu.dma_semaphore, #tpu.memory_space<semaphore_mem>>) src(%dma_wait3A_49 : memref<160x128xi32, #tpu.memory_space<hbm>>) dst(%arg8 : memref<160x128xi32, #tpu.memory_space<vmem>>)
      tpu.yield
    }) : () -> ()
    "tpu.region"() ({
      %run_scoped3A = tpu.sem_alloc : memref<!tpu.dma_semaphore, #tpu.memory_space<semaphore_mem>>
      %run_scoped3A_44 = tpu.sem_alloc : memref<!tpu.dma_semaphore, #tpu.memory_space<semaphore_mem>>
      %dma_start3A = arith.constant 0 : i32
      %dma_start3A_45 = arith.constant 0 : i32
      %dma_start3A_46 = tpu.memref_slice %arg7[%dma_start3A, %dma_start3A_45] : memref<160x128xi32, #tpu.memory_space<vmem>> -> memref<1x128xi32, #tpu.memory_space<vmem>>
      %dma_start3A_47 = tpu.memref_squeeze %dma_start3A_46 : memref<1x128xi32, #tpu.memory_space<vmem>> -> memref<128xi32, #tpu.memory_space<vmem>>
      %dma_start3A_48 = arith.constant 0 : i32
      %dma_start3A_49 = arith.constant 0 : i32
      %dma_start3A_50 = tpu.memref_slice %arg4[%dma_start3A_48, %dma_start3A_49] : memref<20000x64xf32, #tpu.memory_space<hbm>> -> memref<20000x64xf32, #tpu.memory_space<hbm>>
      tpu.enqueue_indirect_dma source(%dma_start3A_50 : memref<20000x64xf32, #tpu.memory_space<hbm>>) target(%arg9 : memref<128x64xf32, #tpu.memory_space<vmem>>) offsets(%dma_start3A_47 : memref<128xi32, #tpu.memory_space<vmem>>) semaphore(%run_scoped3A : memref<!tpu.dma_semaphore, #tpu.memory_space<semaphore_mem>>)
      %scan3A_51 = arith.constant 0 : i32
      %scan3A_52 = arith.constant 80 : i32
      %scan3A_53 = arith.addi %scan3A_51, %scan3A_52 : i32
      %scan3A_54 = arith.constant 1 : i32
      scf.for %scan3A_56 = %scan3A_51 to %scan3A_53 step %scan3A_54  : i32 {
        %mul3A_57 = arith.constant 2 : i32
        %mul3A_58 = arith.muli %scan3A_56, %mul3A_57 : i32
        %add3A_59 = arith.constant 0 : i32
        %add3A_60 = arith.addi %add3A_59, %mul3A_58 : i32
        %add3A_61 = arith.constant 0 : i32
        %add3A_62 = arith.addi %add3A_60, %add3A_61 : i32
        %dma_wait3A = arith.constant 0 : i32
        %dma_wait3A_63 = tpu.memref_slice %arg7[%add3A_62, %dma_wait3A] : memref<160x128xi32, #tpu.memory_space<vmem>> -> memref<1x128xi32, #tpu.memory_space<vmem>>
        %dma_wait3A_64 = tpu.memref_squeeze %dma_wait3A_63 : memref<1x128xi32, #tpu.memory_space<vmem>> -> memref<128xi32, #tpu.memory_space<vmem>>
        %dma_wait3A_65 = arith.constant 0 : i32
        %dma_wait3A_66 = arith.constant 0 : i32
        %dma_wait3A_67 = tpu.memref_slice %arg4[%dma_wait3A_65, %dma_wait3A_66] : memref<20000x64xf32, #tpu.memory_space<hbm>> -> memref<20000x64xf32, #tpu.memory_space<hbm>>
        tpu.wait_indirect_dma semaphore(%run_scoped3A : memref<!tpu.dma_semaphore, #tpu.memory_space<semaphore_mem>>) src(%dma_wait3A_67 : memref<20000x64xf32, #tpu.memory_space<hbm>>) dst(%arg9 : memref<128x64xf32, #tpu.memory_space<vmem>>)
        %add3A_68 = arith.constant 1 : i32
        %add3A_69 = arith.addi %add3A_62, %add3A_68 : i32
        %lt3A = arith.constant 160 : i32
        %lt3A_70 = arith.cmpi slt, %add3A_69, %lt3A : i32
        %convert_element_type3A = arith.extui %lt3A_70 : i1 to i32
        %cond3A = arith.constant 0 : i32
        %cond3A_71 = arith.cmpi ne, %convert_element_type3A, %cond3A : i32
        scf.if %cond3A_71 {
          %add3A_87 = arith.constant 1 : i32
          %add3A_88 = arith.addi %add3A_62, %add3A_87 : i32
          %dma_start3A_89 = arith.constant 0 : i32
          %dma_start3A_90 = tpu.memref_slice %arg7[%add3A_88, %dma_start3A_89] : memref<160x128xi32, #tpu.memory_space<vmem>> -> memref<1x128xi32, #tpu.memory_space<vmem>>
          %dma_start3A_91 = tpu.memref_squeeze %dma_start3A_90 : memref<1x128xi32, #tpu.memory_space<vmem>> -> memref<128xi32, #tpu.memory_space<vmem>>
          %dma_start3A_92 = arith.constant 0 : i32
          %dma_start3A_93 = arith.constant 0 : i32
          %dma_start3A_94 = tpu.memref_slice %arg4[%dma_start3A_92, %dma_start3A_93] : memref<20000x64xf32, #tpu.memory_space<hbm>> -> memref<20000x64xf32, #tpu.memory_space<hbm>>
          tpu.enqueue_indirect_dma source(%dma_start3A_94 : memref<20000x64xf32, #tpu.memory_space<hbm>>) target(%arg10 : memref<128x64xf32, #tpu.memory_space<vmem>>) offsets(%dma_start3A_91 : memref<128xi32, #tpu.memory_space<vmem>>) semaphore(%run_scoped3A : memref<!tpu.dma_semaphore, #tpu.memory_space<semaphore_mem>>)
        } else {
        }
        "tpu.region"() ({
          %run_scoped3A_87 = tpu.sem_alloc : memref<!tpu.dma_semaphore, #tpu.memory_space<semaphore_mem>>
          %dma_start3A_88 = arith.constant 0 : i32
          %dma_start3A_89 = tpu.memref_slice %arg8[%add3A_62, %dma_start3A_88] : memref<160x128xi32, #tpu.memory_space<vmem>> -> memref<1x128xi32, #tpu.memory_space<vmem>>
          %dma_start3A_90 = tpu.memref_squeeze %dma_start3A_89 : memref<1x128xi32, #tpu.memory_space<vmem>> -> memref<128xi32, #tpu.memory_space<vmem>>
          %dma_start3A_91 = arith.constant 0 : i32
          %dma_start3A_92 = arith.constant 0 : i32
          %dma_start3A_93 = tpu.memref_slice %arg14[%dma_start3A_91, %dma_start3A_92] : memref<12800x64xf32, #tpu.memory_space<vmem_shared>> -> memref<12800x64xf32, #tpu.memory_space<vmem_shared>>
          tpu.enqueue_indirect_dma source(%arg9 : memref<128x64xf32, #tpu.memory_space<vmem>>) target(%dma_start3A_93 : memref<12800x64xf32, #tpu.memory_space<vmem_shared>>) offsets(%dma_start3A_90 : memref<128xi32, #tpu.memory_space<vmem>>) semaphore(%run_scoped3A_87 : memref<!tpu.dma_semaphore, #tpu.memory_space<semaphore_mem>>) {add = true}
          %dma_wait3A_94 = arith.constant 0 : i32
          %dma_wait3A_95 = tpu.memref_slice %arg8[%add3A_62, %dma_wait3A_94] : memref<160x128xi32, #tpu.memory_space<vmem>> -> memref<1x128xi32, #tpu.memory_space<vmem>>
          %dma_wait3A_96 = tpu.memref_squeeze %dma_wait3A_95 : memref<1x128xi32, #tpu.memory_space<vmem>> -> memref<128xi32, #tpu.memory_space<vmem>>
          %dma_wait3A_97 = arith.constant 0 : i32
          %dma_wait3A_98 = arith.constant 0 : i32
          %dma_wait3A_99 = tpu.memref_slice %arg14[%dma_wait3A_97, %dma_wait3A_98] : memref<12800x64xf32, #tpu.memory_space<vmem_shared>> -> memref<12800x64xf32, #tpu.memory_space<vmem_shared>>
          tpu.wait_indirect_dma semaphore(%run_scoped3A_87 : memref<!tpu.dma_semaphore, #tpu.memory_space<semaphore_mem>>) src(%arg9 : memref<128x64xf32, #tpu.memory_space<vmem>>) dst(%dma_wait3A_99 : memref<12800x64xf32, #tpu.memory_space<vmem_shared>>)
          tpu.yield
        }) : () -> ()
        "tpu.region"() ({
          %run_scoped3A_87 = tpu.sem_alloc : memref<!tpu.dma_semaphore, #tpu.memory_space<semaphore_mem>>
          %dma_start3A_88 = arith.constant 0 : i32
          %dma_start3A_89 = tpu.memref_slice %arg8[%add3A_62, %dma_start3A_88] : memref<160x128xi32, #tpu.memory_space<vmem>> -> memref<1x128xi32, #tpu.memory_space<vmem>>
          %dma_start3A_90 = tpu.memref_squeeze %dma_start3A_89 : memref<1x128xi32, #tpu.memory_space<vmem>> -> memref<128xi32, #tpu.memory_space<vmem>>
          %dma_start3A_91 = arith.constant 0 : i32
          %dma_start3A_92 = arith.constant 0 : i32
          %dma_start3A_93 = tpu.memref_slice %arg15[%dma_start3A_91, %dma_start3A_92] : memref<12800x16xf32, #tpu.memory_space<vmem_shared>> -> memref<12800x16xf32, #tpu.memory_space<vmem_shared>>
          tpu.enqueue_indirect_dma source(%arg11 : memref<128x16xf32, #tpu.memory_space<vmem>>) target(%dma_start3A_93 : memref<12800x16xf32, #tpu.memory_space<vmem_shared>>) offsets(%dma_start3A_90 : memref<128xi32, #tpu.memory_space<vmem>>) semaphore(%run_scoped3A_87 : memref<!tpu.dma_semaphore, #tpu.memory_space<semaphore_mem>>) {add = true}
          %dma_wait3A_94 = arith.constant 0 : i32
          %dma_wait3A_95 = tpu.memref_slice %arg8[%add3A_62, %dma_wait3A_94] : memref<160x128xi32, #tpu.memory_space<vmem>> -> memref<1x128xi32, #tpu.memory_space<vmem>>
          %dma_wait3A_96 = tpu.memref_squeeze %dma_wait3A_95 : memref<1x128xi32, #tpu.memory_space<vmem>> -> memref<128xi32, #tpu.memory_space<vmem>>
          %dma_wait3A_97 = arith.constant 0 : i32
          %dma_wait3A_98 = arith.constant 0 : i32
          %dma_wait3A_99 = tpu.memref_slice %arg15[%dma_wait3A_97, %dma_wait3A_98] : memref<12800x16xf32, #tpu.memory_space<vmem_shared>> -> memref<12800x16xf32, #tpu.memory_space<vmem_shared>>
          tpu.wait_indirect_dma semaphore(%run_scoped3A_87 : memref<!tpu.dma_semaphore, #tpu.memory_space<semaphore_mem>>) src(%arg11 : memref<128x16xf32, #tpu.memory_space<vmem>>) dst(%dma_wait3A_99 : memref<12800x16xf32, #tpu.memory_space<vmem_shared>>)
          tpu.yield
        }) : () -> ()
        %add3A_72 = arith.constant 1 : i32
        %add3A_73 = arith.addi %add3A_60, %add3A_72 : i32
        %dma_wait3A_74 = arith.constant 0 : i32
        %dma_wait3A_75 = tpu.memref_slice %arg7[%add3A_73, %dma_wait3A_74] : memref<160x128xi32, #tpu.memory_space<vmem>> -> memref<1x128xi32, #tpu.memory_space<vmem>>
        %dma_wait3A_76 = tpu.memref_squeeze %dma_wait3A_75 : memref<1x128xi32, #tpu.memory_space<vmem>> -> memref<128xi32, #tpu.memory_space<vmem>>
        %dma_wait3A_77 = arith.constant 0 : i32
        %dma_wait3A_78 = arith.constant 0 : i32
        %dma_wait3A_79 = tpu.memref_slice %arg4[%dma_wait3A_77, %dma_wait3A_78] : memref<20000x64xf32, #tpu.memory_space<hbm>> -> memref<20000x64xf32, #tpu.memory_space<hbm>>
        tpu.wait_indirect_dma semaphore(%run_scoped3A : memref<!tpu.dma_semaphore, #tpu.memory_space<semaphore_mem>>) src(%dma_wait3A_79 : memref<20000x64xf32, #tpu.memory_space<hbm>>) dst(%arg10 : memref<128x64xf32, #tpu.memory_space<vmem>>)
        %add3A_80 = arith.constant 1 : i32
        %add3A_81 = arith.addi %add3A_73, %add3A_80 : i32
        %lt3A_82 = arith.constant 160 : i32
        %lt3A_83 = arith.cmpi slt, %add3A_81, %lt3A_82 : i32
        %convert_element_type3A_84 = arith.extui %lt3A_83 : i1 to i32
        %cond3A_85 = arith.constant 0 : i32
        %cond3A_86 = arith.cmpi ne, %convert_element_type3A_84, %cond3A_85 : i32
        scf.if %cond3A_86 {
          %add3A_87 = arith.constant 1 : i32
          %add3A_88 = arith.addi %add3A_73, %add3A_87 : i32
          %dma_start3A_89 = arith.constant 0 : i32
          %dma_start3A_90 = tpu.memref_slice %arg7[%add3A_88, %dma_start3A_89] : memref<160x128xi32, #tpu.memory_space<vmem>> -> memref<1x128xi32, #tpu.memory_space<vmem>>
          %dma_start3A_91 = tpu.memref_squeeze %dma_start3A_90 : memref<1x128xi32, #tpu.memory_space<vmem>> -> memref<128xi32, #tpu.memory_space<vmem>>
          %dma_start3A_92 = arith.constant 0 : i32
          %dma_start3A_93 = arith.constant 0 : i32
          %dma_start3A_94 = tpu.memref_slice %arg4[%dma_start3A_92, %dma_start3A_93] : memref<20000x64xf32, #tpu.memory_space<hbm>> -> memref<20000x64xf32, #tpu.memory_space<hbm>>
          tpu.enqueue_indirect_dma source(%dma_start3A_94 : memref<20000x64xf32, #tpu.memory_space<hbm>>) target(%arg9 : memref<128x64xf32, #tpu.memory_space<vmem>>) offsets(%dma_start3A_91 : memref<128xi32, #tpu.memory_space<vmem>>) semaphore(%run_scoped3A : memref<!tpu.dma_semaphore, #tpu.memory_space<semaphore_mem>>)
        } else {
        }
        "tpu.region"() ({
          %run_scoped3A_87 = tpu.sem_alloc : memref<!tpu.dma_semaphore, #tpu.memory_space<semaphore_mem>>
          %dma_start3A_88 = arith.constant 0 : i32
          %dma_start3A_89 = tpu.memref_slice %arg8[%add3A_73, %dma_start3A_88] : memref<160x128xi32, #tpu.memory_space<vmem>> -> memref<1x128xi32, #tpu.memory_space<vmem>>
          %dma_start3A_90 = tpu.memref_squeeze %dma_start3A_89 : memref<1x128xi32, #tpu.memory_space<vmem>> -> memref<128xi32, #tpu.memory_space<vmem>>
          %dma_start3A_91 = arith.constant 0 : i32
          %dma_start3A_92 = arith.constant 0 : i32
          %dma_start3A_93 = tpu.memref_slice %arg14[%dma_start3A_91, %dma_start3A_92] : memref<12800x64xf32, #tpu.memory_space<vmem_shared>> -> memref<12800x64xf32, #tpu.memory_space<vmem_shared>>
          tpu.enqueue_indirect_dma source(%arg10 : memref<128x64xf32, #tpu.memory_space<vmem>>) target(%dma_start3A_93 : memref<12800x64xf32, #tpu.memory_space<vmem_shared>>) offsets(%dma_start3A_90 : memref<128xi32, #tpu.memory_space<vmem>>) semaphore(%run_scoped3A_87 : memref<!tpu.dma_semaphore, #tpu.memory_space<semaphore_mem>>) {add = true}
          %dma_wait3A_94 = arith.constant 0 : i32
          %dma_wait3A_95 = tpu.memref_slice %arg8[%add3A_73, %dma_wait3A_94] : memref<160x128xi32, #tpu.memory_space<vmem>> -> memref<1x128xi32, #tpu.memory_space<vmem>>
          %dma_wait3A_96 = tpu.memref_squeeze %dma_wait3A_95 : memref<1x128xi32, #tpu.memory_space<vmem>> -> memref<128xi32, #tpu.memory_space<vmem>>
          %dma_wait3A_97 = arith.constant 0 : i32
          %dma_wait3A_98 = arith.constant 0 : i32
          %dma_wait3A_99 = tpu.memref_slice %arg14[%dma_wait3A_97, %dma_wait3A_98] : memref<12800x64xf32, #tpu.memory_space<vmem_shared>> -> memref<12800x64xf32, #tpu.memory_space<vmem_shared>>
          tpu.wait_indirect_dma semaphore(%run_scoped3A_87 : memref<!tpu.dma_semaphore, #tpu.memory_space<semaphore_mem>>) src(%arg10 : memref<128x64xf32, #tpu.memory_space<vmem>>) dst(%dma_wait3A_99 : memref<12800x64xf32, #tpu.memory_space<vmem_shared>>)
          tpu.yield
        }) : () -> ()
        "tpu.region"() ({
          %run_scoped3A_87 = tpu.sem_alloc : memref<!tpu.dma_semaphore, #tpu.memory_space<semaphore_mem>>
          %dma_start3A_88 = arith.constant 0 : i32
          %dma_start3A_89 = tpu.memref_slice %arg8[%add3A_73, %dma_start3A_88] : memref<160x128xi32, #tpu.memory_space<vmem>> -> memref<1x128xi32, #tpu.memory_space<vmem>>
          %dma_start3A_90 = tpu.memref_squeeze %dma_start3A_89 : memref<1x128xi32, #tpu.memory_space<vmem>> -> memref<128xi32, #tpu.memory_space<vmem>>
          %dma_start3A_91 = arith.constant 0 : i32
          %dma_start3A_92 = arith.constant 0 : i32
          %dma_start3A_93 = tpu.memref_slice %arg15[%dma_start3A_91, %dma_start3A_92] : memref<12800x16xf32, #tpu.memory_space<vmem_shared>> -> memref<12800x16xf32, #tpu.memory_space<vmem_shared>>
          tpu.enqueue_indirect_dma source(%arg11 : memref<128x16xf32, #tpu.memory_space<vmem>>) target(%dma_start3A_93 : memref<12800x16xf32, #tpu.memory_space<vmem_shared>>) offsets(%dma_start3A_90 : memref<128xi32, #tpu.memory_space<vmem>>) semaphore(%run_scoped3A_87 : memref<!tpu.dma_semaphore, #tpu.memory_space<semaphore_mem>>) {add = true}
          %dma_wait3A_94 = arith.constant 0 : i32
          %dma_wait3A_95 = tpu.memref_slice %arg8[%add3A_73, %dma_wait3A_94] : memref<160x128xi32, #tpu.memory_space<vmem>> -> memref<1x128xi32, #tpu.memory_space<vmem>>
          %dma_wait3A_96 = tpu.memref_squeeze %dma_wait3A_95 : memref<1x128xi32, #tpu.memory_space<vmem>> -> memref<128xi32, #tpu.memory_space<vmem>>
          %dma_wait3A_97 = arith.constant 0 : i32
          %dma_wait3A_98 = arith.constant 0 : i32
          %dma_wait3A_99 = tpu.memref_slice %arg15[%dma_wait3A_97, %dma_wait3A_98] : memref<12800x16xf32, #tpu.memory_space<vmem_shared>> -> memref<12800x16xf32, #tpu.memory_space<vmem_shared>>
          tpu.wait_indirect_dma semaphore(%run_scoped3A_87 : memref<!tpu.dma_semaphore, #tpu.memory_space<semaphore_mem>>) src(%arg11 : memref<128x16xf32, #tpu.memory_space<vmem>>) dst(%dma_wait3A_99 : memref<12800x16xf32, #tpu.memory_space<vmem_shared>>)
          tpu.yield
        }) : () -> ()
      }
      %scan3A_55 = arith.constant 80 : i32
      tpu.yield
    }) : () -> ()
    %barrier3A_35 = arith.constant 0 : index
    tpu.barrier barrier_id(%barrier3A_35)
    %mul3A_36 = arith.constant 800 : i32
    %mul3A_37 = arith.muli %arg1, %mul3A_36 : i32
    %mul3A_38 = arith.constant 12800 : i32
    %mul3A_39 = arith.muli %arg0, %mul3A_38 : i32
    %add3A_40 = arith.addi %mul3A_39, %mul3A_37 : i32
    "tpu.region"() ({
      %run_scoped3A = tpu.sem_alloc : memref<!tpu.dma_semaphore, #tpu.memory_space<semaphore_mem>>
      %dma_start3A = arith.constant 0 : i32
      %dma_start3A_44 = tpu.memref_slice %arg5[%add3A_40, %dma_start3A] : memref<25600x64xf32, #tpu.memory_space<hbm>> -> memref<800x64xf32, #tpu.memory_space<hbm>>
      %dma_start3A_45 = arith.constant 0 : i32
      %dma_start3A_46 = tpu.memref_slice %arg14[%mul3A_37, %dma_start3A_45] : memref<12800x64xf32, #tpu.memory_space<vmem_shared>> -> memref<800x64xf32, #tpu.memory_space<vmem_shared>>
      tpu.enqueue_dma source(%dma_start3A_46 : memref<800x64xf32, #tpu.memory_space<vmem_shared>>) target(%dma_start3A_44 : memref<800x64xf32, #tpu.memory_space<hbm>>) target_semaphore(%run_scoped3A : memref<!tpu.dma_semaphore, #tpu.memory_space<semaphore_mem>>)
      %dma_wait3A = arith.constant 0 : i32
      %dma_wait3A_47 = tpu.memref_slice %arg5[%add3A_40, %dma_wait3A] : memref<25600x64xf32, #tpu.memory_space<hbm>> -> memref<800x64xf32, #tpu.memory_space<hbm>>
      %dma_wait3A_48 = arith.constant 0 : i32
      %dma_wait3A_49 = tpu.memref_slice %arg14[%mul3A_37, %dma_wait3A_48] : memref<12800x64xf32, #tpu.memory_space<vmem_shared>> -> memref<800x64xf32, #tpu.memory_space<vmem_shared>>
      tpu.wait_dma2 semaphore(%run_scoped3A : memref<!tpu.dma_semaphore, #tpu.memory_space<semaphore_mem>>) src(%dma_wait3A_49 : memref<800x64xf32, #tpu.memory_space<vmem_shared>>) dst(%dma_wait3A_47 : memref<800x64xf32, #tpu.memory_space<hbm>>)
      tpu.yield
    }) : () -> ()
    %mul3A_41 = arith.constant 12800 : i32
    %mul3A_42 = arith.muli %arg0, %mul3A_41 : i32
    %add3A_43 = arith.addi %mul3A_42, %mul3A_37 : i32
    "tpu.region"() ({
      %run_scoped3A = tpu.sem_alloc : memref<!tpu.dma_semaphore, #tpu.memory_space<semaphore_mem>>
      %dma_start3A = arith.constant 0 : i32
      %dma_start3A_44 = tpu.memref_slice %arg6[%add3A_43, %dma_start3A] : memref<25600x16xf32, #tpu.memory_space<hbm>> -> memref<800x16xf32, #tpu.memory_space<hbm>>
      %dma_start3A_45 = arith.constant 0 : i32
      %dma_start3A_46 = tpu.memref_slice %arg15[%mul3A_37, %dma_start3A_45] : memref<12800x16xf32, #tpu.memory_space<vmem_shared>> -> memref<800x16xf32, #tpu.memory_space<vmem_shared>>
      tpu.enqueue_dma source(%dma_start3A_46 : memref<800x16xf32, #tpu.memory_space<vmem_shared>>) target(%dma_start3A_44 : memref<800x16xf32, #tpu.memory_space<hbm>>) target_semaphore(%run_scoped3A : memref<!tpu.dma_semaphore, #tpu.memory_space<semaphore_mem>>)
      %dma_wait3A = arith.constant 0 : i32
      %dma_wait3A_47 = tpu.memref_slice %arg6[%add3A_43, %dma_wait3A] : memref<25600x16xf32, #tpu.memory_space<hbm>> -> memref<800x16xf32, #tpu.memory_space<hbm>>
      %dma_wait3A_48 = arith.constant 0 : i32
      %dma_wait3A_49 = tpu.memref_slice %arg15[%mul3A_37, %dma_wait3A_48] : memref<12800x16xf32, #tpu.memory_space<vmem_shared>> -> memref<800x16xf32, #tpu.memory_space<vmem_shared>>
      tpu.wait_dma2 semaphore(%run_scoped3A : memref<!tpu.dma_semaphore, #tpu.memory_space<semaphore_mem>>) src(%dma_wait3A_49 : memref<800x16xf32, #tpu.memory_space<vmem_shared>>) dst(%dma_wait3A_47 : memref<800x16xf32, #tpu.memory_space<hbm>>)
      tpu.yield
    }) : () -> ()
    return
  }
}

#map = affine_map<(d0, d1) -> (0, 0)>
module attributes {stable_mosaic.version = 14 : i64} {
  func.func @_sc_agg_body(%arg0: i32, %arg1: i32, %arg2: memref<5120x128xi32, #tpu.memory_space<hbm>>, %arg3: memref<2560x128xi32, #tpu.memory_space<hbm>>, %arg4: memref<20000x64xf32, #tpu.memory_space<hbm>>, %arg5: memref<25600x64xf32, #tpu.memory_space<hbm>>, %arg6: memref<160x128xi32, #tpu.memory_space<vmem>>, %arg7: memref<160x128xi32, #tpu.memory_space<vmem>>, %arg8: memref<128x64xf32, #tpu.memory_space<vmem>>, %arg9: memref<128x64xf32, #tpu.memory_space<vmem>>, %arg10: memref<80x64xf32, #tpu.memory_space<vmem>>, %arg11: memref<12800x64xf32, #tpu.memory_space<vmem_shared>>) attributes {dimension_semantics = [#tpu.dimension_semantics<core_parallel>, #tpu.dimension_semantics<subcore_parallel>], iteration_bounds = array<i64: 2, 16>, scalar_prefetch = 0 : i64, scratch_operands = 6 : i64, tpu.core_type = #tpu.core_type<sc_vector_subcore>, window_params = [{transform_indices = #map}, {transform_indices = #map}, {transform_indices = #map}, {transform_indices = #map}]} {
    %broadcast_in_dim3A = arith.constant 0.000000e+00 : f32
    %broadcast_in_dim3A_0 = vector.broadcast %broadcast_in_dim3A : f32 to vector<16xf32>
    %scan3A = arith.constant 0 : i32
    %scan3A_1 = arith.constant 80 : i32
    %scan3A_2 = arith.addi %scan3A, %scan3A_1 : i32
    %scan3A_3 = arith.constant 1 : i32
    scf.for %scan3A_21 = %scan3A to %scan3A_2 step %scan3A_3  : i32 {
      %mul3A_22 = arith.constant 1 : i32
      %mul3A_23 = arith.muli %scan3A_21, %mul3A_22 : i32
      %add3A_24 = arith.constant 0 : i32
      %add3A_25 = arith.addi %add3A_24, %mul3A_23 : i32
      %scan3A_26 = arith.constant 0 : i32
      %scan3A_27 = arith.constant 4 : i32
      %scan3A_28 = arith.addi %scan3A_26, %scan3A_27 : i32
      %scan3A_29 = arith.constant 1 : i32
      scf.for %scan3A_31 = %scan3A_26 to %scan3A_28 step %scan3A_29  : i32 {
        %mul3A_32 = arith.constant 16 : i32
        %mul3A_33 = arith.muli %scan3A_31, %mul3A_32 : i32
        %add3A_34 = arith.constant 0 : i32
        %add3A_35 = arith.addi %add3A_34, %mul3A_33 : i32
        %swap3A = arith.index_cast %add3A_25 : i32 to index
        %swap3A_36 = arith.index_cast %add3A_35 : i32 to index
        %swap3A_37 = tpu.vector_load %arg10[%swap3A, %swap3A_36] {strides = array<i32>} : memref<80x64xf32, #tpu.memory_space<vmem>>, vector<1x16xf32>,
        %swap3A_38 = vector.shape_cast %swap3A_37 : vector<1x16xf32> to vector<16xf32>
        %swap3A_39 = vector.shape_cast %broadcast_in_dim3A_0 : vector<16xf32> to vector<1x16xf32>
        tpu.vector_store %arg10[%swap3A, %swap3A_36], %swap3A_39 {strides = array<i32>} : memref<80x64xf32, #tpu.memory_space<vmem>>, vector<1x16xf32>,
      }
      %scan3A_30 = arith.constant 4 : i32
    }
    %scan3A_4 = arith.constant 80 : i32
    %mul3A = arith.constant 800 : i32
    %mul3A_5 = arith.muli %arg1, %mul3A : i32
    %scan3A_6 = arith.constant 0 : i32
    %scan3A_7 = arith.constant 10 : i32
    %scan3A_8 = arith.addi %scan3A_6, %scan3A_7 : i32
    %scan3A_9 = arith.constant 1 : i32
    scf.for %scan3A_21 = %scan3A_6 to %scan3A_8 step %scan3A_9  : i32 {
      %mul3A_22 = arith.constant 80 : i32
      %mul3A_23 = arith.muli %scan3A_21, %mul3A_22 : i32
      %add3A_24 = arith.constant 0 : i32
      %add3A_25 = arith.addi %add3A_24, %mul3A_23 : i32
      %add3A_26 = arith.addi %mul3A_5, %add3A_25 : i32
      "tpu.region"() ({
        %run_scoped3A = tpu.sem_alloc : memref<!tpu.dma_semaphore, #tpu.memory_space<semaphore_mem>>
        %dma_start3A = arith.constant 0 : i32
        %dma_start3A_27 = tpu.memref_slice %arg11[%add3A_26, %dma_start3A] : memref<12800x64xf32, #tpu.memory_space<vmem_shared>> -> memref<80x64xf32, #tpu.memory_space<vmem_shared>>
        %dma_start3A_28 = arith.constant 0 : i32
        %dma_start3A_29 = tpu.memref_slice %arg11[%add3A_26, %dma_start3A_28] : memref<12800x64xf32, #tpu.memory_space<vmem_shared>> -> memref<80x64xf32, #tpu.memory_space<vmem_shared>>
        tpu.enqueue_dma source(%arg10 : memref<80x64xf32, #tpu.memory_space<vmem>>) target(%dma_start3A_29 : memref<80x64xf32, #tpu.memory_space<vmem_shared>>) target_semaphore(%run_scoped3A : memref<!tpu.dma_semaphore, #tpu.memory_space<semaphore_mem>>)
        %dma_wait3A = arith.constant 0 : i32
        %dma_wait3A_30 = tpu.memref_slice %arg11[%add3A_26, %dma_wait3A] : memref<12800x64xf32, #tpu.memory_space<vmem_shared>> -> memref<80x64xf32, #tpu.memory_space<vmem_shared>>
        %dma_wait3A_31 = arith.constant 0 : i32
        %dma_wait3A_32 = tpu.memref_slice %arg11[%add3A_26, %dma_wait3A_31] : memref<12800x64xf32, #tpu.memory_space<vmem_shared>> -> memref<80x64xf32, #tpu.memory_space<vmem_shared>>
        tpu.wait_dma2 semaphore(%run_scoped3A : memref<!tpu.dma_semaphore, #tpu.memory_space<semaphore_mem>>) src(%arg10 : memref<80x64xf32, #tpu.memory_space<vmem>>) dst(%dma_wait3A_32 : memref<80x64xf32, #tpu.memory_space<vmem_shared>>)
        tpu.yield
      }) : () -> ()
    }
    %scan3A_10 = arith.constant 10 : i32
    %barrier3A = arith.constant 0 : index
    tpu.barrier barrier_id(%barrier3A)
    %mul3A_11 = arith.constant 160 : i32
    %mul3A_12 = arith.muli %arg1, %mul3A_11 : i32
    %mul3A_13 = arith.constant 2560 : i32
    %mul3A_14 = arith.muli %arg0, %mul3A_13 : i32
    %add3A = arith.addi %mul3A_14, %mul3A_12 : i32
    "tpu.region"() ({
      %run_scoped3A = tpu.sem_alloc : memref<!tpu.dma_semaphore, #tpu.memory_space<semaphore_mem>>
      %dma_start3A = arith.constant 0 : i32
      %dma_start3A_21 = tpu.memref_slice %arg2[%add3A, %dma_start3A] : memref<5120x128xi32, #tpu.memory_space<hbm>> -> memref<160x128xi32, #tpu.memory_space<hbm>>
      %dma_start3A_22 = arith.constant 0 : i32
      %dma_start3A_23 = tpu.memref_slice %arg2[%add3A, %dma_start3A_22] : memref<5120x128xi32, #tpu.memory_space<hbm>> -> memref<160x128xi32, #tpu.memory_space<hbm>>
      tpu.enqueue_dma source(%dma_start3A_23 : memref<160x128xi32, #tpu.memory_space<hbm>>) target(%arg6 : memref<160x128xi32, #tpu.memory_space<vmem>>) target_semaphore(%run_scoped3A : memref<!tpu.dma_semaphore, #tpu.memory_space<semaphore_mem>>)
      %dma_wait3A = arith.constant 0 : i32
      %dma_wait3A_24 = tpu.memref_slice %arg2[%add3A, %dma_wait3A] : memref<5120x128xi32, #tpu.memory_space<hbm>> -> memref<160x128xi32, #tpu.memory_space<hbm>>
      %dma_wait3A_25 = arith.constant 0 : i32
      %dma_wait3A_26 = tpu.memref_slice %arg2[%add3A, %dma_wait3A_25] : memref<5120x128xi32, #tpu.memory_space<hbm>> -> memref<160x128xi32, #tpu.memory_space<hbm>>
      tpu.wait_dma2 semaphore(%run_scoped3A : memref<!tpu.dma_semaphore, #tpu.memory_space<semaphore_mem>>) src(%dma_wait3A_26 : memref<160x128xi32, #tpu.memory_space<hbm>>) dst(%arg6 : memref<160x128xi32, #tpu.memory_space<vmem>>)
      tpu.yield
    }) : () -> ()
    "tpu.region"() ({
      %run_scoped3A = tpu.sem_alloc : memref<!tpu.dma_semaphore, #tpu.memory_space<semaphore_mem>>
      %dma_start3A = arith.constant 0 : i32
      %dma_start3A_21 = tpu.memref_slice %arg3[%mul3A_12, %dma_start3A] : memref<2560x128xi32, #tpu.memory_space<hbm>> -> memref<160x128xi32, #tpu.memory_space<hbm>>
      %dma_start3A_22 = arith.constant 0 : i32
      %dma_start3A_23 = tpu.memref_slice %arg3[%mul3A_12, %dma_start3A_22] : memref<2560x128xi32, #tpu.memory_space<hbm>> -> memref<160x128xi32, #tpu.memory_space<hbm>>
      tpu.enqueue_dma source(%dma_start3A_23 : memref<160x128xi32, #tpu.memory_space<hbm>>) target(%arg7 : memref<160x128xi32, #tpu.memory_space<vmem>>) target_semaphore(%run_scoped3A : memref<!tpu.dma_semaphore, #tpu.memory_space<semaphore_mem>>)
      %dma_wait3A = arith.constant 0 : i32
      %dma_wait3A_24 = tpu.memref_slice %arg3[%mul3A_12, %dma_wait3A] : memref<2560x128xi32, #tpu.memory_space<hbm>> -> memref<160x128xi32, #tpu.memory_space<hbm>>
      %dma_wait3A_25 = arith.constant 0 : i32
      %dma_wait3A_26 = tpu.memref_slice %arg3[%mul3A_12, %dma_wait3A_25] : memref<2560x128xi32, #tpu.memory_space<hbm>> -> memref<160x128xi32, #tpu.memory_space<hbm>>
      tpu.wait_dma2 semaphore(%run_scoped3A : memref<!tpu.dma_semaphore, #tpu.memory_space<semaphore_mem>>) src(%dma_wait3A_26 : memref<160x128xi32, #tpu.memory_space<hbm>>) dst(%arg7 : memref<160x128xi32, #tpu.memory_space<vmem>>)
      tpu.yield
    }) : () -> ()
    "tpu.region"() ({
      %run_scoped3A = tpu.sem_alloc : memref<!tpu.dma_semaphore, #tpu.memory_space<semaphore_mem>>
      %run_scoped3A_21 = tpu.sem_alloc : memref<!tpu.dma_semaphore, #tpu.memory_space<semaphore_mem>>
      %dma_start3A = arith.constant 0 : i32
      %dma_start3A_22 = arith.constant 0 : i32
      %dma_start3A_23 = tpu.memref_slice %arg6[%dma_start3A, %dma_start3A_22] : memref<160x128xi32, #tpu.memory_space<vmem>> -> memref<1x128xi32, #tpu.memory_space<vmem>>
      %dma_start3A_24 = tpu.memref_squeeze %dma_start3A_23 : memref<1x128xi32, #tpu.memory_space<vmem>> -> memref<128xi32, #tpu.memory_space<vmem>>
      %dma_start3A_25 = arith.constant 0 : i32
      %dma_start3A_26 = arith.constant 0 : i32
      %dma_start3A_27 = tpu.memref_slice %arg4[%dma_start3A_25, %dma_start3A_26] : memref<20000x64xf32, #tpu.memory_space<hbm>> -> memref<20000x64xf32, #tpu.memory_space<hbm>>
      tpu.enqueue_indirect_dma source(%dma_start3A_27 : memref<20000x64xf32, #tpu.memory_space<hbm>>) target(%arg8 : memref<128x64xf32, #tpu.memory_space<vmem>>) offsets(%dma_start3A_24 : memref<128xi32, #tpu.memory_space<vmem>>) semaphore(%run_scoped3A : memref<!tpu.dma_semaphore, #tpu.memory_space<semaphore_mem>>)
      %scan3A_28 = arith.constant 0 : i32
      %scan3A_29 = arith.constant 80 : i32
      %scan3A_30 = arith.addi %scan3A_28, %scan3A_29 : i32
      %scan3A_31 = arith.constant 1 : i32
      scf.for %scan3A_33 = %scan3A_28 to %scan3A_30 step %scan3A_31  : i32 {
        %mul3A_34 = arith.constant 2 : i32
        %mul3A_35 = arith.muli %scan3A_33, %mul3A_34 : i32
        %add3A_36 = arith.constant 0 : i32
        %add3A_37 = arith.addi %add3A_36, %mul3A_35 : i32
        %add3A_38 = arith.constant 0 : i32
        %add3A_39 = arith.addi %add3A_37, %add3A_38 : i32
        %dma_wait3A = arith.constant 0 : i32
        %dma_wait3A_40 = tpu.memref_slice %arg6[%add3A_39, %dma_wait3A] : memref<160x128xi32, #tpu.memory_space<vmem>> -> memref<1x128xi32, #tpu.memory_space<vmem>>
        %dma_wait3A_41 = tpu.memref_squeeze %dma_wait3A_40 : memref<1x128xi32, #tpu.memory_space<vmem>> -> memref<128xi32, #tpu.memory_space<vmem>>
        %dma_wait3A_42 = arith.constant 0 : i32
        %dma_wait3A_43 = arith.constant 0 : i32
        %dma_wait3A_44 = tpu.memref_slice %arg4[%dma_wait3A_42, %dma_wait3A_43] : memref<20000x64xf32, #tpu.memory_space<hbm>> -> memref<20000x64xf32, #tpu.memory_space<hbm>>
        tpu.wait_indirect_dma semaphore(%run_scoped3A : memref<!tpu.dma_semaphore, #tpu.memory_space<semaphore_mem>>) src(%dma_wait3A_44 : memref<20000x64xf32, #tpu.memory_space<hbm>>) dst(%arg8 : memref<128x64xf32, #tpu.memory_space<vmem>>)
        %add3A_45 = arith.constant 1 : i32
        %add3A_46 = arith.addi %add3A_39, %add3A_45 : i32
        %lt3A = arith.constant 160 : i32
        %lt3A_47 = arith.cmpi slt, %add3A_46, %lt3A : i32
        %convert_element_type3A = arith.extui %lt3A_47 : i1 to i32
        %cond3A = arith.constant 0 : i32
        %cond3A_48 = arith.cmpi ne, %convert_element_type3A, %cond3A : i32
        scf.if %cond3A_48 {
          %add3A_64 = arith.constant 1 : i32
          %add3A_65 = arith.addi %add3A_39, %add3A_64 : i32
          %dma_start3A_66 = arith.constant 0 : i32
          %dma_start3A_67 = tpu.memref_slice %arg6[%add3A_65, %dma_start3A_66] : memref<160x128xi32, #tpu.memory_space<vmem>> -> memref<1x128xi32, #tpu.memory_space<vmem>>
          %dma_start3A_68 = tpu.memref_squeeze %dma_start3A_67 : memref<1x128xi32, #tpu.memory_space<vmem>> -> memref<128xi32, #tpu.memory_space<vmem>>
          %dma_start3A_69 = arith.constant 0 : i32
          %dma_start3A_70 = arith.constant 0 : i32
          %dma_start3A_71 = tpu.memref_slice %arg4[%dma_start3A_69, %dma_start3A_70] : memref<20000x64xf32, #tpu.memory_space<hbm>> -> memref<20000x64xf32, #tpu.memory_space<hbm>>
          tpu.enqueue_indirect_dma source(%dma_start3A_71 : memref<20000x64xf32, #tpu.memory_space<hbm>>) target(%arg9 : memref<128x64xf32, #tpu.memory_space<vmem>>) offsets(%dma_start3A_68 : memref<128xi32, #tpu.memory_space<vmem>>) semaphore(%run_scoped3A : memref<!tpu.dma_semaphore, #tpu.memory_space<semaphore_mem>>)
        } else {
        }
        "tpu.region"() ({
          %run_scoped3A_64 = tpu.sem_alloc : memref<!tpu.dma_semaphore, #tpu.memory_space<semaphore_mem>>
          %dma_start3A_65 = arith.constant 0 : i32
          %dma_start3A_66 = tpu.memref_slice %arg7[%add3A_39, %dma_start3A_65] : memref<160x128xi32, #tpu.memory_space<vmem>> -> memref<1x128xi32, #tpu.memory_space<vmem>>
          %dma_start3A_67 = tpu.memref_squeeze %dma_start3A_66 : memref<1x128xi32, #tpu.memory_space<vmem>> -> memref<128xi32, #tpu.memory_space<vmem>>
          %dma_start3A_68 = arith.constant 0 : i32
          %dma_start3A_69 = arith.constant 0 : i32
          %dma_start3A_70 = tpu.memref_slice %arg11[%dma_start3A_68, %dma_start3A_69] : memref<12800x64xf32, #tpu.memory_space<vmem_shared>> -> memref<12800x64xf32, #tpu.memory_space<vmem_shared>>
          tpu.enqueue_indirect_dma source(%arg8 : memref<128x64xf32, #tpu.memory_space<vmem>>) target(%dma_start3A_70 : memref<12800x64xf32, #tpu.memory_space<vmem_shared>>) offsets(%dma_start3A_67 : memref<128xi32, #tpu.memory_space<vmem>>) semaphore(%run_scoped3A_64 : memref<!tpu.dma_semaphore, #tpu.memory_space<semaphore_mem>>) {add = true}
          %dma_wait3A_71 = arith.constant 0 : i32
          %dma_wait3A_72 = tpu.memref_slice %arg7[%add3A_39, %dma_wait3A_71] : memref<160x128xi32, #tpu.memory_space<vmem>> -> memref<1x128xi32, #tpu.memory_space<vmem>>
          %dma_wait3A_73 = tpu.memref_squeeze %dma_wait3A_72 : memref<1x128xi32, #tpu.memory_space<vmem>> -> memref<128xi32, #tpu.memory_space<vmem>>
          %dma_wait3A_74 = arith.constant 0 : i32
          %dma_wait3A_75 = arith.constant 0 : i32
          %dma_wait3A_76 = tpu.memref_slice %arg11[%dma_wait3A_74, %dma_wait3A_75] : memref<12800x64xf32, #tpu.memory_space<vmem_shared>> -> memref<12800x64xf32, #tpu.memory_space<vmem_shared>>
          tpu.wait_indirect_dma semaphore(%run_scoped3A_64 : memref<!tpu.dma_semaphore, #tpu.memory_space<semaphore_mem>>) src(%arg8 : memref<128x64xf32, #tpu.memory_space<vmem>>) dst(%dma_wait3A_76 : memref<12800x64xf32, #tpu.memory_space<vmem_shared>>)
          tpu.yield
        }) : () -> ()
        %add3A_49 = arith.constant 1 : i32
        %add3A_50 = arith.addi %add3A_37, %add3A_49 : i32
        %dma_wait3A_51 = arith.constant 0 : i32
        %dma_wait3A_52 = tpu.memref_slice %arg6[%add3A_50, %dma_wait3A_51] : memref<160x128xi32, #tpu.memory_space<vmem>> -> memref<1x128xi32, #tpu.memory_space<vmem>>
        %dma_wait3A_53 = tpu.memref_squeeze %dma_wait3A_52 : memref<1x128xi32, #tpu.memory_space<vmem>> -> memref<128xi32, #tpu.memory_space<vmem>>
        %dma_wait3A_54 = arith.constant 0 : i32
        %dma_wait3A_55 = arith.constant 0 : i32
        %dma_wait3A_56 = tpu.memref_slice %arg4[%dma_wait3A_54, %dma_wait3A_55] : memref<20000x64xf32, #tpu.memory_space<hbm>> -> memref<20000x64xf32, #tpu.memory_space<hbm>>
        tpu.wait_indirect_dma semaphore(%run_scoped3A : memref<!tpu.dma_semaphore, #tpu.memory_space<semaphore_mem>>) src(%dma_wait3A_56 : memref<20000x64xf32, #tpu.memory_space<hbm>>) dst(%arg9 : memref<128x64xf32, #tpu.memory_space<vmem>>)
        %add3A_57 = arith.constant 1 : i32
        %add3A_58 = arith.addi %add3A_50, %add3A_57 : i32
        %lt3A_59 = arith.constant 160 : i32
        %lt3A_60 = arith.cmpi slt, %add3A_58, %lt3A_59 : i32
        %convert_element_type3A_61 = arith.extui %lt3A_60 : i1 to i32
        %cond3A_62 = arith.constant 0 : i32
        %cond3A_63 = arith.cmpi ne, %convert_element_type3A_61, %cond3A_62 : i32
        scf.if %cond3A_63 {
          %add3A_64 = arith.constant 1 : i32
          %add3A_65 = arith.addi %add3A_50, %add3A_64 : i32
          %dma_start3A_66 = arith.constant 0 : i32
          %dma_start3A_67 = tpu.memref_slice %arg6[%add3A_65, %dma_start3A_66] : memref<160x128xi32, #tpu.memory_space<vmem>> -> memref<1x128xi32, #tpu.memory_space<vmem>>
          %dma_start3A_68 = tpu.memref_squeeze %dma_start3A_67 : memref<1x128xi32, #tpu.memory_space<vmem>> -> memref<128xi32, #tpu.memory_space<vmem>>
          %dma_start3A_69 = arith.constant 0 : i32
          %dma_start3A_70 = arith.constant 0 : i32
          %dma_start3A_71 = tpu.memref_slice %arg4[%dma_start3A_69, %dma_start3A_70] : memref<20000x64xf32, #tpu.memory_space<hbm>> -> memref<20000x64xf32, #tpu.memory_space<hbm>>
          tpu.enqueue_indirect_dma source(%dma_start3A_71 : memref<20000x64xf32, #tpu.memory_space<hbm>>) target(%arg8 : memref<128x64xf32, #tpu.memory_space<vmem>>) offsets(%dma_start3A_68 : memref<128xi32, #tpu.memory_space<vmem>>) semaphore(%run_scoped3A : memref<!tpu.dma_semaphore, #tpu.memory_space<semaphore_mem>>)
        } else {
        }
        "tpu.region"() ({
          %run_scoped3A_64 = tpu.sem_alloc : memref<!tpu.dma_semaphore, #tpu.memory_space<semaphore_mem>>
          %dma_start3A_65 = arith.constant 0 : i32
          %dma_start3A_66 = tpu.memref_slice %arg7[%add3A_50, %dma_start3A_65] : memref<160x128xi32, #tpu.memory_space<vmem>> -> memref<1x128xi32, #tpu.memory_space<vmem>>
          %dma_start3A_67 = tpu.memref_squeeze %dma_start3A_66 : memref<1x128xi32, #tpu.memory_space<vmem>> -> memref<128xi32, #tpu.memory_space<vmem>>
          %dma_start3A_68 = arith.constant 0 : i32
          %dma_start3A_69 = arith.constant 0 : i32
          %dma_start3A_70 = tpu.memref_slice %arg11[%dma_start3A_68, %dma_start3A_69] : memref<12800x64xf32, #tpu.memory_space<vmem_shared>> -> memref<12800x64xf32, #tpu.memory_space<vmem_shared>>
          tpu.enqueue_indirect_dma source(%arg9 : memref<128x64xf32, #tpu.memory_space<vmem>>) target(%dma_start3A_70 : memref<12800x64xf32, #tpu.memory_space<vmem_shared>>) offsets(%dma_start3A_67 : memref<128xi32, #tpu.memory_space<vmem>>) semaphore(%run_scoped3A_64 : memref<!tpu.dma_semaphore, #tpu.memory_space<semaphore_mem>>) {add = true}
          %dma_wait3A_71 = arith.constant 0 : i32
          %dma_wait3A_72 = tpu.memref_slice %arg7[%add3A_50, %dma_wait3A_71] : memref<160x128xi32, #tpu.memory_space<vmem>> -> memref<1x128xi32, #tpu.memory_space<vmem>>
          %dma_wait3A_73 = tpu.memref_squeeze %dma_wait3A_72 : memref<1x128xi32, #tpu.memory_space<vmem>> -> memref<128xi32, #tpu.memory_space<vmem>>
          %dma_wait3A_74 = arith.constant 0 : i32
          %dma_wait3A_75 = arith.constant 0 : i32
          %dma_wait3A_76 = tpu.memref_slice %arg11[%dma_wait3A_74, %dma_wait3A_75] : memref<12800x64xf32, #tpu.memory_space<vmem_shared>> -> memref<12800x64xf32, #tpu.memory_space<vmem_shared>>
          tpu.wait_indirect_dma semaphore(%run_scoped3A_64 : memref<!tpu.dma_semaphore, #tpu.memory_space<semaphore_mem>>) src(%arg9 : memref<128x64xf32, #tpu.memory_space<vmem>>) dst(%dma_wait3A_76 : memref<12800x64xf32, #tpu.memory_space<vmem_shared>>)
          tpu.yield
        }) : () -> ()
      }
      %scan3A_32 = arith.constant 80 : i32
      tpu.yield
    }) : () -> ()
    %barrier3A_15 = arith.constant 0 : index
    tpu.barrier barrier_id(%barrier3A_15)
    %mul3A_16 = arith.constant 800 : i32
    %mul3A_17 = arith.muli %arg1, %mul3A_16 : i32
    %mul3A_18 = arith.constant 12800 : i32
    %mul3A_19 = arith.muli %arg0, %mul3A_18 : i32
    %add3A_20 = arith.addi %mul3A_19, %mul3A_17 : i32
    "tpu.region"() ({
      %run_scoped3A = tpu.sem_alloc : memref<!tpu.dma_semaphore, #tpu.memory_space<semaphore_mem>>
      %dma_start3A = arith.constant 0 : i32
      %dma_start3A_21 = tpu.memref_slice %arg5[%add3A_20, %dma_start3A] : memref<25600x64xf32, #tpu.memory_space<hbm>> -> memref<800x64xf32, #tpu.memory_space<hbm>>
      %dma_start3A_22 = arith.constant 0 : i32
      %dma_start3A_23 = tpu.memref_slice %arg11[%mul3A_17, %dma_start3A_22] : memref<12800x64xf32, #tpu.memory_space<vmem_shared>> -> memref<800x64xf32, #tpu.memory_space<vmem_shared>>
      tpu.enqueue_dma source(%dma_start3A_23 : memref<800x64xf32, #tpu.memory_space<vmem_shared>>) target(%dma_start3A_21 : memref<800x64xf32, #tpu.memory_space<hbm>>) target_semaphore(%run_scoped3A : memref<!tpu.dma_semaphore, #tpu.memory_space<semaphore_mem>>)
      %dma_wait3A = arith.constant 0 : i32
      %dma_wait3A_24 = tpu.memref_slice %arg5[%add3A_20, %dma_wait3A] : memref<25600x64xf32, #tpu.memory_space<hbm>> -> memref<800x64xf32, #tpu.memory_space<hbm>>
      %dma_wait3A_25 = arith.constant 0 : i32
      %dma_wait3A_26 = tpu.memref_slice %arg11[%mul3A_17, %dma_wait3A_25] : memref<12800x64xf32, #tpu.memory_space<vmem_shared>> -> memref<800x64xf32, #tpu.memory_space<vmem_shared>>
      tpu.wait_dma2 semaphore(%run_scoped3A : memref<!tpu.dma_semaphore, #tpu.memory_space<semaphore_mem>>) src(%dma_wait3A_26 : memref<800x64xf32, #tpu.memory_space<vmem_shared>>) dst(%dma_wait3A_24 : memref<800x64xf32, #tpu.memory_space<hbm>>)
      tpu.yield
    }) : () -> ()
    return
  }
}

module attributes {stable_mosaic.version = 14 : i64} {
  func.func @_dense1_body(%arg0: i32, %arg1: memref<400x64xf32, #tpu.memory_space<vmem>>, %arg2: memref<400x64xf32, #tpu.memory_space<vmem>>, %arg3: memref<400x16xf32, #tpu.memory_space<vmem>>, %arg4: memref<400x128xf32, #tpu.memory_space<vmem>>, %arg5: memref<128x128xf32, #tpu.memory_space<vmem>>, %arg6: memref<1x128xf32, #tpu.memory_space<vmem>>, %arg7: memref<128x128xf32, #tpu.memory_space<vmem>>, %arg8: memref<400x64xf32, #tpu.memory_space<vmem>>, %arg9: memref<400x64xf32, #tpu.memory_space<vmem>>) attributes {dimension_semantics = [#tpu.dimension_semantics<arbitrary>], iteration_bounds = array<i64: 25>, scalar_prefetch = 0 : i64, scratch_operands = 0 : i64, tpu.core_type = #tpu.core_type<tc>, window_params = [{transform_indices = @transform_0, window_bounds = array<i64: 400, 64>}, {transform_indices = @transform_1, window_bounds = array<i64: 400, 64>}, {transform_indices = @transform_2, window_bounds = array<i64: 400, 16>}, {transform_indices = @transform_3, window_bounds = array<i64: 400, 128>}, {pipeline_mode = #tpu.pipeline_mode<synchronous>, transform_indices = @transform_4, window_bounds = array<i64: 128, 128>}, {pipeline_mode = #tpu.pipeline_mode<synchronous>, transform_indices = @transform_5, window_bounds = array<i64: 1, 128>}, {pipeline_mode = #tpu.pipeline_mode<synchronous>, transform_indices = @transform_6, window_bounds = array<i64: 128, 128>}, {transform_indices = @transform_7, window_bounds = array<i64: 400, 64>}, {transform_indices = @transform_8, window_bounds = array<i64: 400, 64>}]} {
    %get3A = arith.constant 0 : index
    %get3A_0 = arith.constant 0 : index
    %get3A_1 = vector.load %arg3[%get3A, %get3A_0] : memref<400x16xf32, #tpu.memory_space<vmem>>, vector<400x1xf32>
    %max3A = arith.constant 1.000000e+00 : f32
    %max3A_2 = vector.broadcast %max3A : f32 to vector<400x1xf32>
    %max3A_3 = arith.maximumf %get3A_1, %max3A_2 : vector<400x1xf32>
    %get3A_4 = arith.constant 0 : index
    %get3A_5 = arith.constant 0 : index
    %get3A_6 = vector.load %arg1[%get3A_4, %get3A_5] : memref<400x64xf32, #tpu.memory_space<vmem>>, vector<400x64xf32>
    %get3A_7 = arith.constant 0 : index
    %get3A_8 = arith.constant 0 : index
    %get3A_9 = vector.load %arg2[%get3A_7, %get3A_8] : memref<400x64xf32, #tpu.memory_space<vmem>>, vector<400x64xf32>
    %concatenate3A = tpu.concatenate %get3A_6, %get3A_9 in 1 : vector<400x64xf32>, vector<400x64xf32> -> vector<400x128xf32>
    %div3A = vector.broadcast %max3A_3 : vector<400x1xf32> to vector<400x128xf32>
    %div3A_10 = arith.divf %concatenate3A, %div3A : vector<400x128xf32>
    %get3A_11 = arith.constant 0 : index
    %get3A_12 = arith.constant 0 : index
    %get3A_13 = vector.load %arg5[%get3A_11, %get3A_12] : memref<128x128xf32, #tpu.memory_space<vmem>>, vector<128x128xf32>
    %dot_general3A = arith.constant dense<0.000000e+00> : vector<400x128xf32>
    %dot_general3A_14 = tpu.matmul %div3A_10, %get3A_13, %dot_general3A {dimension_numbers = #tpu.dot_dimension_numbers<[1], [0], [0], [1], [0, 0, 1, 1], [], []>, transpose_lhs_hint = false} : vector<400x128xf32>, vector<128x128xf32>, vector<400x128xf32> -> vector<400x128xf32>
    %get3A_15 = arith.constant 0 : index
    %get3A_16 = arith.constant 0 : index
    %get3A_17 = vector.load %arg4[%get3A_15, %get3A_16] : memref<400x128xf32, #tpu.memory_space<vmem>>, vector<400x128xf32>
    %get3A_18 = arith.constant 0 : index
    %get3A_19 = arith.constant 0 : index
    %get3A_20 = vector.load %arg7[%get3A_18, %get3A_19] : memref<128x128xf32, #tpu.memory_space<vmem>>, vector<128x128xf32>
    %dot_general3A_21 = arith.constant dense<0.000000e+00> : vector<400x128xf32>
    %dot_general3A_22 = tpu.matmul %get3A_17, %get3A_20, %dot_general3A_21 {dimension_numbers = #tpu.dot_dimension_numbers<[1], [0], [0], [1], [0, 0, 1, 1], [], []>, transpose_lhs_hint = false} : vector<400x128xf32>, vector<128x128xf32>, vector<400x128xf32> -> vector<400x128xf32>
    %add3A = arith.addf %dot_general3A_14, %dot_general3A_22 : vector<400x128xf32>
    %get3A_23 = arith.constant 0 : index
    %get3A_24 = arith.constant 0 : index
    %get3A_25 = vector.load %arg6[%get3A_23, %get3A_24] : memref<1x128xf32, #tpu.memory_space<vmem>>, vector<1x128xf32>
    %add3A_26 = vector.broadcast %get3A_25 : vector<1x128xf32> to vector<400x128xf32>
    %add3A_27 = arith.addf %add3A, %add3A_26 : vector<400x128xf32>
    %max3A_28 = arith.constant 0.000000e+00 : f32
    %max3A_29 = vector.broadcast %max3A_28 : f32 to vector<400x128xf32>
    %max3A_30 = arith.maximumf %add3A_27, %max3A_29 : vector<400x128xf32>
    %slice3A = vector.extract_strided_slice %max3A_30 {offsets = [0, 0], sizes = [400, 64], strides = [1, 1]} : vector<400x128xf32> to vector<400x64xf32>
    %swap3A = arith.constant 0 : index
    %swap3A_31 = arith.constant 0 : index
    %swap3A_32 = vector.load %arg8[%swap3A, %swap3A_31] : memref<400x64xf32, #tpu.memory_space<vmem>>, vector<400x64xf32>
    tpu.vector_store %arg8[%swap3A, %swap3A_31], %slice3A {strides = array<i32>} : memref<400x64xf32, #tpu.memory_space<vmem>>, vector<400x64xf32>,
    %slice3A_33 = vector.extract_strided_slice %max3A_30 {offsets = [0, 64], sizes = [400, 64], strides = [1, 1]} : vector<400x128xf32> to vector<400x64xf32>
    %swap3A_34 = arith.constant 0 : index
    %swap3A_35 = arith.constant 0 : index
    %swap3A_36 = vector.load %arg9[%swap3A_34, %swap3A_35] : memref<400x64xf32, #tpu.memory_space<vmem>>, vector<400x64xf32>
    tpu.vector_store %arg9[%swap3A_34, %swap3A_35], %slice3A_33 {strides = array<i32>} : memref<400x64xf32, #tpu.memory_space<vmem>>, vector<400x64xf32>,
    return
  }
  func.func @transform_0(%arg0: i32) -> (i32, i32) {
    %add3A = arith.constant 0 : i32
    %add3A_0 = arith.addi %arg0, %add3A : i32
    %c0_i32 = arith.constant 0 : i32
    %c0_i32_1 = arith.constant 0 : i32
    return %add3A_0, %c0_i32 : i32, i32
  }
  func.func @transform_1(%arg0: i32) -> (i32, i32) {
    %add3A = arith.constant 32 : i32
    %add3A_0 = arith.addi %arg0, %add3A : i32
    %c0_i32 = arith.constant 0 : i32
    %c0_i32_1 = arith.constant 0 : i32
    return %add3A_0, %c0_i32 : i32, i32
  }
  func.func @transform_2(%arg0: i32) -> (i32, i32) {
    %add3A = arith.constant 0 : i32
    %add3A_0 = arith.addi %arg0, %add3A : i32
    %c0_i32 = arith.constant 0 : i32
    %c0_i32_1 = arith.constant 0 : i32
    return %add3A_0, %c0_i32 : i32, i32
  }
  func.func @transform_3(%arg0: i32) -> (i32, i32) {
    %add3A = arith.constant 0 : i32
    %add3A_0 = arith.addi %arg0, %add3A : i32
    %c0_i32 = arith.constant 0 : i32
    %c0_i32_1 = arith.constant 0 : i32
    return %add3A_0, %c0_i32 : i32, i32
  }
  func.func @transform_4(%arg0: i32) -> (i32, i32) {
    %c0_i32 = arith.constant 0 : i32
    %c0_i32_0 = arith.constant 0 : i32
    %c0_i32_1 = arith.constant 0 : i32
    return %c0_i32, %c0_i32_0 : i32, i32
  }
  func.func @transform_5(%arg0: i32) -> (i32, i32) {
    %c0_i32 = arith.constant 0 : i32
    %c0_i32_0 = arith.constant 0 : i32
    %c0_i32_1 = arith.constant 0 : i32
    return %c0_i32, %c0_i32_0 : i32, i32
  }
  func.func @transform_6(%arg0: i32) -> (i32, i32) {
    %c0_i32 = arith.constant 0 : i32
    %c0_i32_0 = arith.constant 0 : i32
    %c0_i32_1 = arith.constant 0 : i32
    return %c0_i32, %c0_i32_0 : i32, i32
  }
  func.func @transform_7(%arg0: i32) -> (i32, i32) {
    %add3A = arith.constant 0 : i32
    %add3A_0 = arith.addi %arg0, %add3A : i32
    %c0_i32 = arith.constant 0 : i32
    %c0_i32_1 = arith.constant 0 : i32
    return %add3A_0, %c0_i32 : i32, i32
  }
  func.func @transform_8(%arg0: i32) -> (i32, i32) {
    %add3A = arith.constant 0 : i32
    %add3A_0 = arith.addi %arg0, %add3A : i32
    %c0_i32 = arith.constant 0 : i32
    %c0_i32_1 = arith.constant 0 : i32
    return %add3A_0, %c0_i32 : i32, i32
  }
}

module attributes {stable_mosaic.version = 14 : i64} {
  func.func @_dense2_body(%arg0: i32, %arg1: memref<400x64xf32, #tpu.memory_space<vmem>>, %arg2: memref<400x64xf32, #tpu.memory_space<vmem>>, %arg3: memref<400x16xf32, #tpu.memory_space<vmem>>, %arg4: memref<400x64xf32, #tpu.memory_space<vmem>>, %arg5: memref<400x64xf32, #tpu.memory_space<vmem>>, %arg6: memref<128x128xf32, #tpu.memory_space<vmem>>, %arg7: memref<1x128xf32, #tpu.memory_space<vmem>>, %arg8: memref<128x128xf32, #tpu.memory_space<vmem>>, %arg9: memref<128x128xf32, #tpu.memory_space<vmem>>, %arg10: memref<1x128xf32, #tpu.memory_space<vmem>>, %arg11: memref<128x1xf32, #tpu.memory_space<vmem>>, %arg12: memref<1x1xf32, #tpu.memory_space<vmem>>, %arg13: memref<400x1xf32, #tpu.memory_space<vmem>>) attributes {dimension_semantics = [#tpu.dimension_semantics<arbitrary>], iteration_bounds = array<i64: 25>, scalar_prefetch = 0 : i64, scratch_operands = 0 : i64, tpu.core_type = #tpu.core_type<tc>, window_params = [{transform_indices = @transform_0, window_bounds = array<i64: 400, 64>}, {transform_indices = @transform_1, window_bounds = array<i64: 400, 64>}, {transform_indices = @transform_2, window_bounds = array<i64: 400, 16>}, {transform_indices = @transform_3, window_bounds = array<i64: 400, 64>}, {transform_indices = @transform_4, window_bounds = array<i64: 400, 64>}, {pipeline_mode = #tpu.pipeline_mode<synchronous>, transform_indices = @transform_5, window_bounds = array<i64: 128, 128>}, {pipeline_mode = #tpu.pipeline_mode<synchronous>, transform_indices = @transform_6, window_bounds = array<i64: 1, 128>}, {pipeline_mode = #tpu.pipeline_mode<synchronous>, transform_indices = @transform_7, window_bounds = array<i64: 128, 128>}, {pipeline_mode = #tpu.pipeline_mode<synchronous>, transform_indices = @transform_8, window_bounds = array<i64: 128, 128>}, {pipeline_mode = #tpu.pipeline_mode<synchronous>, transform_indices = @transform_9, window_bounds = array<i64: 1, 128>}, {pipeline_mode = #tpu.pipeline_mode<synchronous>, transform_indices = @transform_10, window_bounds = array<i64: 128, 1>}, {pipeline_mode = #tpu.pipeline_mode<synchronous>, transform_indices = @transform_11, window_bounds = array<i64: 1, 1>}, {transform_indices = @transform_12, window_bounds = array<i64: 400, 1>}]} {
    %get3A = arith.constant 0 : index
    %get3A_0 = arith.constant 0 : index
    %get3A_1 = vector.load %arg3[%get3A, %get3A_0] : memref<400x16xf32, #tpu.memory_space<vmem>>, vector<400x1xf32>
    %max3A = arith.constant 1.000000e+00 : f32
    %max3A_2 = vector.broadcast %max3A : f32 to vector<400x1xf32>
    %max3A_3 = arith.maximumf %get3A_1, %max3A_2 : vector<400x1xf32>
    %get3A_4 = arith.constant 0 : index
    %get3A_5 = arith.constant 0 : index
    %get3A_6 = vector.load %arg1[%get3A_4, %get3A_5] : memref<400x64xf32, #tpu.memory_space<vmem>>, vector<400x64xf32>
    %get3A_7 = arith.constant 0 : index
    %get3A_8 = arith.constant 0 : index
    %get3A_9 = vector.load %arg2[%get3A_7, %get3A_8] : memref<400x64xf32, #tpu.memory_space<vmem>>, vector<400x64xf32>
    %concatenate3A = tpu.concatenate %get3A_6, %get3A_9 in 1 : vector<400x64xf32>, vector<400x64xf32> -> vector<400x128xf32>
    %div3A = vector.broadcast %max3A_3 : vector<400x1xf32> to vector<400x128xf32>
    %div3A_10 = arith.divf %concatenate3A, %div3A : vector<400x128xf32>
    %get3A_11 = arith.constant 0 : index
    %get3A_12 = arith.constant 0 : index
    %get3A_13 = vector.load %arg4[%get3A_11, %get3A_12] : memref<400x64xf32, #tpu.memory_space<vmem>>, vector<400x64xf32>
    %get3A_14 = arith.constant 0 : index
    %get3A_15 = arith.constant 0 : index
    %get3A_16 = vector.load %arg5[%get3A_14, %get3A_15] : memref<400x64xf32, #tpu.memory_space<vmem>>, vector<400x64xf32>
    %concatenate3A_17 = tpu.concatenate %get3A_13, %get3A_16 in 1 : vector<400x64xf32>, vector<400x64xf32> -> vector<400x128xf32>
    %get3A_18 = arith.constant 0 : index
    %get3A_19 = arith.constant 0 : index
    %get3A_20 = vector.load %arg6[%get3A_18, %get3A_19] : memref<128x128xf32, #tpu.memory_space<vmem>>, vector<128x128xf32>
    %dot_general3A = arith.constant dense<0.000000e+00> : vector<400x128xf32>
    %dot_general3A_21 = tpu.matmul %div3A_10, %get3A_20, %dot_general3A {dimension_numbers = #tpu.dot_dimension_numbers<[1], [0], [0], [1], [0, 0, 1, 1], [], []>, transpose_lhs_hint = false} : vector<400x128xf32>, vector<128x128xf32>, vector<400x128xf32> -> vector<400x128xf32>
    %get3A_22 = arith.constant 0 : index
    %get3A_23 = arith.constant 0 : index
    %get3A_24 = vector.load %arg8[%get3A_22, %get3A_23] : memref<128x128xf32, #tpu.memory_space<vmem>>, vector<128x128xf32>
    %dot_general3A_25 = arith.constant dense<0.000000e+00> : vector<400x128xf32>
    %dot_general3A_26 = tpu.matmul %concatenate3A_17, %get3A_24, %dot_general3A_25 {dimension_numbers = #tpu.dot_dimension_numbers<[1], [0], [0], [1], [0, 0, 1, 1], [], []>, transpose_lhs_hint = false} : vector<400x128xf32>, vector<128x128xf32>, vector<400x128xf32> -> vector<400x128xf32>
    %add3A = arith.addf %dot_general3A_21, %dot_general3A_26 : vector<400x128xf32>
    %get3A_27 = arith.constant 0 : index
    %get3A_28 = arith.constant 0 : index
    %get3A_29 = vector.load %arg7[%get3A_27, %get3A_28] : memref<1x128xf32, #tpu.memory_space<vmem>>, vector<1x128xf32>
    %add3A_30 = vector.broadcast %get3A_29 : vector<1x128xf32> to vector<400x128xf32>
    %add3A_31 = arith.addf %add3A, %add3A_30 : vector<400x128xf32>
    %max3A_32 = arith.constant 0.000000e+00 : f32
    %max3A_33 = vector.broadcast %max3A_32 : f32 to vector<400x128xf32>
    %max3A_34 = arith.maximumf %add3A_31, %max3A_33 : vector<400x128xf32>
    %get3A_35 = arith.constant 0 : index
    %get3A_36 = arith.constant 0 : index
    %get3A_37 = vector.load %arg9[%get3A_35, %get3A_36] : memref<128x128xf32, #tpu.memory_space<vmem>>, vector<128x128xf32>
    %dot_general3A_38 = arith.constant dense<0.000000e+00> : vector<400x128xf32>
    %dot_general3A_39 = tpu.matmul %max3A_34, %get3A_37, %dot_general3A_38 {dimension_numbers = #tpu.dot_dimension_numbers<[1], [0], [0], [1], [0, 0, 1, 1], [], []>, transpose_lhs_hint = false} : vector<400x128xf32>, vector<128x128xf32>, vector<400x128xf32> -> vector<400x128xf32>
    %get3A_40 = arith.constant 0 : index
    %get3A_41 = arith.constant 0 : index
    %get3A_42 = vector.load %arg10[%get3A_40, %get3A_41] : memref<1x128xf32, #tpu.memory_space<vmem>>, vector<1x128xf32>
    %add3A_43 = vector.broadcast %get3A_42 : vector<1x128xf32> to vector<400x128xf32>
    %add3A_44 = arith.addf %dot_general3A_39, %add3A_43 : vector<400x128xf32>
    %max3A_45 = arith.constant 0.000000e+00 : f32
    %max3A_46 = vector.broadcast %max3A_45 : f32 to vector<400x128xf32>
    %max3A_47 = arith.maximumf %add3A_44, %max3A_46 : vector<400x128xf32>
    %get3A_48 = arith.constant 0 : index
    %get3A_49 = arith.constant 0 : index
    %get3A_50 = vector.load %arg11[%get3A_48, %get3A_49] : memref<128x1xf32, #tpu.memory_space<vmem>>, vector<128x1xf32>
    %dot_general3A_51 = arith.constant dense<0.000000e+00> : vector<400x1xf32>
    %dot_general3A_52 = tpu.matmul %max3A_47, %get3A_50, %dot_general3A_51 {dimension_numbers = #tpu.dot_dimension_numbers<[1], [0], [0], [1], [0, 0, 1, 1], [], []>, transpose_lhs_hint = false} : vector<400x128xf32>, vector<128x1xf32>, vector<400x1xf32> -> vector<400x1xf32>
    %get3A_53 = arith.constant 0 : index
    %get3A_54 = arith.constant 0 : index
    %get3A_55 = vector.load %arg12[%get3A_53, %get3A_54] : memref<1x1xf32, #tpu.memory_space<vmem>>, vector<1x1xf32>
    %add3A_56 = vector.broadcast %get3A_55 : vector<1x1xf32> to vector<400x1xf32>
    %add3A_57 = arith.addf %dot_general3A_52, %add3A_56 : vector<400x1xf32>
    %swap3A = arith.constant 0 : index
    %swap3A_58 = arith.constant 0 : index
    %swap3A_59 = vector.load %arg13[%swap3A, %swap3A_58] : memref<400x1xf32, #tpu.memory_space<vmem>>, vector<400x1xf32>
    tpu.vector_store %arg13[%swap3A, %swap3A_58], %add3A_57 {strides = array<i32>} : memref<400x1xf32, #tpu.memory_space<vmem>>, vector<400x1xf32>,
    return
  }
  func.func @transform_0(%arg0: i32) -> (i32, i32) {
    %add3A = arith.constant 0 : i32
    %add3A_0 = arith.addi %arg0, %add3A : i32
    %c0_i32 = arith.constant 0 : i32
    %c0_i32_1 = arith.constant 0 : i32
    return %add3A_0, %c0_i32 : i32, i32
  }
  func.func @transform_1(%arg0: i32) -> (i32, i32) {
    %add3A = arith.constant 32 : i32
    %add3A_0 = arith.addi %arg0, %add3A : i32
    %c0_i32 = arith.constant 0 : i32
    %c0_i32_1 = arith.constant 0 : i32
    return %add3A_0, %c0_i32 : i32, i32
  }
  func.func @transform_2(%arg0: i32) -> (i32, i32) {
    %add3A = arith.constant 0 : i32
    %add3A_0 = arith.addi %arg0, %add3A : i32
    %c0_i32 = arith.constant 0 : i32
    %c0_i32_1 = arith.constant 0 : i32
    return %add3A_0, %c0_i32 : i32, i32
  }
  func.func @transform_3(%arg0: i32) -> (i32, i32) {
    %add3A = arith.constant 0 : i32
    %add3A_0 = arith.addi %arg0, %add3A : i32
    %c0_i32 = arith.constant 0 : i32
    %c0_i32_1 = arith.constant 0 : i32
    return %add3A_0, %c0_i32 : i32, i32
  }
  func.func @transform_4(%arg0: i32) -> (i32, i32) {
    %add3A = arith.constant 0 : i32
    %add3A_0 = arith.addi %arg0, %add3A : i32
    %c0_i32 = arith.constant 0 : i32
    %c0_i32_1 = arith.constant 0 : i32
    return %add3A_0, %c0_i32 : i32, i32
  }
  func.func @transform_5(%arg0: i32) -> (i32, i32) {
    %c0_i32 = arith.constant 0 : i32
    %c0_i32_0 = arith.constant 0 : i32
    %c0_i32_1 = arith.constant 0 : i32
    return %c0_i32, %c0_i32_0 : i32, i32
  }
  func.func @transform_6(%arg0: i32) -> (i32, i32) {
    %c0_i32 = arith.constant 0 : i32
    %c0_i32_0 = arith.constant 0 : i32
    %c0_i32_1 = arith.constant 0 : i32
    return %c0_i32, %c0_i32_0 : i32, i32
  }
  func.func @transform_7(%arg0: i32) -> (i32, i32) {
    %c0_i32 = arith.constant 0 : i32
    %c0_i32_0 = arith.constant 0 : i32
    %c0_i32_1 = arith.constant 0 : i32
    return %c0_i32, %c0_i32_0 : i32, i32
  }
  func.func @transform_8(%arg0: i32) -> (i32, i32) {
    %c0_i32 = arith.constant 0 : i32
    %c0_i32_0 = arith.constant 0 : i32
    %c0_i32_1 = arith.constant 0 : i32
    return %c0_i32, %c0_i32_0 : i32, i32
  }
  func.func @transform_9(%arg0: i32) -> (i32, i32) {
    %c0_i32 = arith.constant 0 : i32
    %c0_i32_0 = arith.constant 0 : i32
    %c0_i32_1 = arith.constant 0 : i32
    return %c0_i32, %c0_i32_0 : i32, i32
  }
  func.func @transform_10(%arg0: i32) -> (i32, i32) {
    %c0_i32 = arith.constant 0 : i32
    %c0_i32_0 = arith.constant 0 : i32
    %c0_i32_1 = arith.constant 0 : i32
    return %c0_i32, %c0_i32_0 : i32, i32
  }
  func.func @transform_11(%arg0: i32) -> (i32, i32) {
    %c0_i32 = arith.constant 0 : i32
    %c0_i32_0 = arith.constant 0 : i32
    %c0_i32_1 = arith.constant 0 : i32
    return %c0_i32, %c0_i32_0 : i32, i32
  }
  func.func @transform_12(%arg0: i32) -> (i32, i32) {
    %add3A = arith.constant 0 : i32
    %add3A_0 = arith.addi %arg0, %add3A : i32
    %c0_i32 = arith.constant 0 : i32
    %c0_i32_1 = arith.constant 0 : i32
    return %add3A_0, %c0_i32 : i32, i32
  }
}

</mosaic_0001>

<sc_bundles>
// kernel: kernel.6.cloned.1.call-start
scs
__scs_entry_jumppad:
0x0: {  	(pc) =	sbr.rel $0x88, $3  }
0x1: {  	(tag) =	ssettag $0x0;
	lr =	simm.s32 $0x1  }
0x2: {  	[smem:$0x3F95] =	sst lr;
	_ =	strace $0xD0000000  }
0x3: {  	_ = 	snop  }
0x4: {  	_ = 	snop  }
0x5: {  	_ = 	snop  }
0x6: {  	_ = 	snop  }
0x7: {  	_ = 	snop  }
__scs_overlays_trampoline_lowered:
0x8: {  	[smem:$0x3FA4] =	sst s0  }
0x9: {  	[smem:$0x3FA5] =	sst s1  }
0xa: {  	[smem:$0x3FA6] =	sst s2  }
0xb: {  	[smem:$0x3FA7] =	sst s3  }
0xc: {  	[smem:$0x3FA8] =	sst s4  }
0xd: {  	[smem:$0x3FA9] =	sst s5  }
0xe: {  	[smem:$0x3FAA] =	sst s6  }
0xf: {  	[smem:$0x3FAB] =	sst s7  }
0x10: {  	[smem:$0x3FAC] =	sst s8  }
0x11: {  	[smem:$0x3FAD] =	sst s9;
	s0 =	simm.s32 @!p0 $0x0  }
0x12: {  	s1 =	sld [smem:$0x3F93];
	s0 =	simm.s32 @p0 $0x1  }
0x13: {  	[smem:$0x3FAE] =	sst s0;
	s0 =	simm.s32 @!p1 $0x0  }
0x14: {  	s2 =	sld [smem:$0x3F92];
	s0 =	simm.s32 @p1 $0x1  }
0x15: {  	[smem:$0x3FAF] =	sst s0;
	s0 =	simm.s32 @!p2 $0x0  }
0x16: {  	s3 =	sld [smem:$0x3FDB];
	s0 =	simm.s32 @p2 $0x1  }
0x17: {  	s4 =	simm.s32 $0x1BF5;
	[smem:$0x3FB1] =	sst s0  }
0x18: {  	s0 =	sld [smem:$0x3F94];
	_ =	swait.ge [sflag:s4], $0x0  }
0x19: {  	s7 =	sld [smem:$0x3F95]  }
0x1a: {  	s8 =	sadd.s32 $0xFFFFE003, lr  }
0x1b: {  	s9 =	sadd.s32 $0xFFFFFEF7, lr;
	s5 =	simm.s32 $0xFFFFFFFF;
	p2 =	slt.u32 s8, $0xFFFFF086  }
0x1c: {  	p1 =	slt.u32 s9, $0xF7A;
	s5 =	simm.s32 @!p2 $0x0  }
0x1d: {  	s5 =	simm.s32 @p1 $0x1;
	p0 =	seq.s32 s7, s2  }
0x1e: {  	s7 =	smul.u32 @!p0 $0xF7A, s2;
	p2 =	seq.s32 @!p0 s5, $0x0  }
0x1f: {  	s9 =	smul.u32 $0xF7A, s1;
	s8 =	simm.s32 @!p0 $0x1BF5;
	p2 =	por !p2, p0  }
0x20: {  	[sflag:s8] =	ssyncset.s32 @!p0 $0xFFFFF086;
	s6 =	sadd.s32 @!p0 s3, s7;
	s7 =	simm.s32 @!p0 $0x108  }
0x21: {  	s3 =	sadd.s32 s3, s9;
	s6 =	sadd.s32 @!p0 $0x88, s6;
	s7 =	simm.s32 @p2 $0x1082  }
0x22: {  	[simem:s7], [sflag:s8] =	dma.local @!p0 [hbm:s6], $0xF7A  }
0x23: {  	s9 =	sor.u32 $0xD0000000, s2;
	s6 =	simm.s32 $0x108;
	_ =	swait.ge @!p0 [sflag:s8], $0x0  }
0x24: {  	s3 =	sadd.s32 $0x88, s3;
	s6 =	simm.s32 @!p1 $0x1082;
	[sflag:s4] =	ssyncset.s32 $0xFFFFF086  }
0x25: {  	[simem:s6], [sflag:s4] =	dma.local [hbm:s3], $0xF7A  }
0x26: {  	[smem:$0x3F95] =	sst s1;
	(tag) =	ssettag s2;
	_ =	strace s9  }
0x27: {  	s1 =	sld [smem:$0x3FA5]  }
0x28: {  	s2 =	sld [smem:$0x3FA6]  }
0x29: {  	s4 =	sld [smem:$0x3FA8]  }
0x2a: {  	p0 =	seq.s32 s5, $0x0;
	s5 =	sld [smem:$0x3FA9]  }
0x2b: {  	s6 =	sld [smem:$0x3FAA]  }
0x2c: {  	s7 =	sld [smem:$0x3FAB]  }
0x2d: {  	s3 =	simm.s32 $0x108;
	s8 =	sld [smem:$0x3FAC]  }
0x2e: {  	s3 =	simm.s32 @!p0 $0x1082;
	s9 =	sld [smem:$0x3FAD]  }
0x2f: {  	lr =	sadd.s32 s0, s3;
	s0 =	sld [smem:$0x3FA4]  }
0x30: {  	s3 =	sld [smem:$0x3FA7]  }
0x31: {  	[smem:$0x3FB0] =	sst s10  }
0x32: {  	s10 =	sld [smem:$0x3FAE];
	_ =	sdelay $0x3  }
0x33: {  	p0 =	seq.s32 s10, $0x1;
	s10 =	sld [smem:$0x3FB0];
	_ =	sdelay $0x3  }
0x34: {  	[smem:$0x3FB0] =	sst s10  }
0x35: {  	s10 =	sld [smem:$0x3FAF];
	_ =	sdelay $0x3  }
0x36: {  	p1 =	seq.s32 s10, $0x1;
	s10 =	sld [smem:$0x3FB0];
	_ =	sdelay $0x3  }
0x37: {  	[smem:$0x3FB0] =	sst s10  }
0x38: {  	s10 =	sld [smem:$0x3FB1]  }
0x39: {  	_ = 	snop;
	(pc) =	sbr.ind lr, $3  }
0x3a: {  	_ = 	snop  }
0x3b: {  	_ = 	snop  }
0x3c: {  	p2 =	seq.s32 s10, $0x1;
	s10 =	sld [smem:$0x3FB0]  }
0x3d: {  	_ =	shalt  }
0x3e: {  	_ =	shalt  }
0x3f: {  	_ =	shalt  }
0x40: {  	_ =	shalt  }
0x41: {  	_ =	shalt  }
0x42: {  	_ =	shalt  }
0x43: {  	_ =	shalt  }
0x44: {  	_ =	shalt  }
0x45: {  	_ =	shalt  }
0x46: {  	_ =	shalt  }
0x47: {  	_ =	shalt  }
0x48: {  	_ =	shalt  }
0x49: {  	_ =	shalt  }
0x4a: {  	_ =	shalt  }
0x4b: {  	_ =	shalt  }
0x4c: {  	_ =	shalt  }
0x4d: {  	_ =	shalt  }
0x4e: {  	_ =	shalt  }
0x4f: {  	_ =	shalt  }
0x50: {  	_ =	shalt  }
0x51: {  	_ =	shalt  }
0x52: {  	_ =	shalt  }
0x53: {  	_ =	shalt  }
0x54: {  	_ =	shalt  }
0x55: {  	_ =	shalt  }
0x56: {  	_ =	shalt  }
0x57: {  	_ =	shalt  }
0x58: {  	_ =	shalt  }
0x59: {  	_ =	shalt  }
0x5a: {  	_ =	shalt  }
0x5b: {  	_ =	shalt  }
0x5c: {  	_ =	shalt  }
0x5d: {  	_ =	shalt  }
0x5e: {  	_ =	shalt  }
0x5f: {  	_ =	shalt  }
0x60: {  	_ =	shalt  }
0x61: {  	_ =	shalt  }
0x62: {  	_ =	shalt  }
0x63: {  	_ =	shalt  }
0x64: {  	_ =	shalt  }
0x65: {  	_ =	shalt  }
0x66: {  	_ =	shalt  }
0x67: {  	_ =	shalt  }
0x68: {  	_ =	shalt  }
0x69: {  	_ =	shalt  }
0x6a: {  	_ =	shalt  }
0x6b: {  	_ =	shalt  }
0x6c: {  	_ =	shalt  }
0x6d: {  	_ =	shalt  }
0x6e: {  	_ =	shalt  }
0x6f: {  	_ =	shalt  }
0x70: {  	_ =	shalt  }
0x71: {  	_ =	shalt  }
0x72: {  	_ =	shalt  }
0x73: {  	_ =	shalt  }
0x74: {  	_ =	shalt  }
0x75: {  	_ =	shalt  }
0x76: {  	_ =	shalt  }
0x77: {  	_ =	shalt  }
0x78: {  	_ =	shalt  }
0x79: {  	_ =	shalt  }
0x7a: {  	_ =	shalt  }
0x7b: {  	_ =	shalt  }
0x7c: {  	_ =	shalt  }
0x7d: {  	_ =	shalt  }
0x7e: {  	_ =	shalt  }
0x7f: {  	_ =	shalt  }
0x80: {  	_ =	shalt  }
0x81: {  	_ =	shalt  }
0x82: {  	_ =	shalt  }
0x83: {  	_ =	shalt  }
0x84: {  	_ =	shalt  }
0x85: {  	_ =	shalt  }
0x86: {  	_ =	shalt  }
0x87: {  	_ =	shalt  }
.Lfunc_end0:
.L_simem_size_0:
called_computation_lowered:
.L_overlay_start_0:
0x88: {  	s2 =	sld [smem:$0x3FD9]  }
0x89: {  	s3 =	sld [smem:$0x3FFE];
	_ =	sdelay $0x1  }
0x8a: {  	s1 =	srdreg.scid  }
0x8b: {  	s0 =	sand.u32 $0x1, s1  }
0x8c: {  	s16 =	sshll.u32 s0, $0xA;
	s2 =	sadd.s32 s3, s2  }
0x8d: {  	s2 =	sadd.s32 s2, s16  }
0x8e: {  	[smem:$0x3FBC] =	sst s2  }
0x8f: {  	_ = 	snop  }
0x90: {  	(tm) =	ssettm $0x1  }
0x91: {  	s17 =	sld [smem:$0x3FFB];
	_ =	sdelay $0x3  }
0x92: {  	_ =	strace s17  }
0x93: {  	s2 =	sld [smem:$0x3FFC];
	_ =	sdelay $0x3  }
0x94: {  	_ =	strace s2  }
0x95: {  	s2 =	sld [smem:$0x3FFD];
	_ =	sdelay $0x3  }
0x96: {  	_ =	strace s2  }
0x97: {  	_ =	strace $0x8FFFFFFF  }
0x98: {  	s18 =	sld [smem:$0x3FDB];
	_ =	sdelay $0x1  }
0x99: {  	s19 =	simm.s32 $_scs_section_size  }
0x9a: {  	s4 =	simm.s32 $_size__tile_overlayer_lowered;
	s5 =	simm.s32 $_tile_overlayer_lowered  }
0x9b: {  	s22 =	simm.s32 $0x1BFF;
	s21 =	sshll.u32 s5, $0x1;
	s2 =	sadd.s32 s19, s18  }
0x9c: {  	s6 =	simm.s32 $0x0;
	s20 =	sshll.u32 s4, $0x1;
	s4 =	sadd.s32 s21, s2  }
0x9d: {  	[timem:s6], [sflag:s22] =	dma.local [hbm:s4], s20  }
0x9e: {  	_ =	swait.ge [sflag:s22], s20  }
0x9f: {  	s3 =	ssub.s32 $0x0, s20;
	[sflag:s22] =	ssyncset.done $0x0  }
0xa0: {  	[sflag:s22] =	ssyncadd.s32 s3;
	_ =	sdelay $0x1  }
0xa1: {  	s23 =	simm.s32 $0x1B8B  }
0xa2: {  	_ =	swait.ge [sflag:s23], $0x1  }
0xa3: {  	[sflag:s23] =	ssyncset.done $0x0  }
0xa4: {  	s25 =	simm.s32 $0x1B8E;
	s24 =	sld [smem:$0x3FFE];
	[sflag:s23] =	ssyncadd.s32 $0xFFFFFFFF  }
0xa5: {  	s26 =	simm.s32 $execute0_lowered;
	[smem:$0x3FD2] =	sst s25  }
0xa6: {  	s4 =	sshll.u32 s26, $0x1;
	_ =	strace $0x80000046;
	[dreg:$0x1] =	wrdreg $0xFFFFFFFF  }
0xa7: {  	s28 =	simm.s32 $_size_execute0_lowered;
	s2 =	sadd.s32 s2, s4;
	[dreg:$0x0] =	wrdreg $0x0  }
0xa8: {  	s4 =	sshll.u32 s28, $0x1;
	[dreg:$0x2] =	wrdreg s2  }
0xa9: {  	[dreg:$0x3] =	wrdreg s4  }
0xaa: {  	[dreg:$0x4] =	wrdreg $0xC0  }
0xab: {  	_ =	task [dreg:s6], $0x5FFFF  }
0xac: {  	[dreg:$0x1] =	wrdreg $0xFFFFFFFF  }
0xad: {  	[dreg:$0x0] =	wrdreg $0x60  }
0xae: {  	[dreg:$0x2] =	wrdreg s24  }
0xaf: {  	[dreg:$0x3] =	wrdreg $0x101000  }
0xb0: {  	[dreg:$0x4] =	wrdreg $0x1C9000  }
0xb1: {  	[dreg:$0x5] =	wrdreg $0x9  }
0xb2: {  	_ =	task.clear_ibuf [dreg:s6], $0x6FFFF;
	_ =	strace $0x90000046  }
0xb3: {  	s29 =	simm.s32 $0x9;
	_ =	strace $0x80000048  }
0xb4: {  	_ =	swait.ge [sflag:s29], $0x1  }
0xb5: {  	[sflag:s29] =	ssyncadd.s32 $0xFFFFFFFF  }
0xb6: {  	_ =	strace $0x90000048  }
0xb7: {  	_ =	sfence  }
0xb8: {  	s30 =	sld [smem:$0x0];
	_ =	sdelay $0x2  }
0xb9: {  	s31 =	sshll.u32 s1, $0xD;
	s1 =	sshrl.u32 s1, $0x2  }
0xba: {  	s3 =	sand.u32 $0x4000, s31;
	s1 =	sadd.s32 s1, s30  }
0xbb: {  	s0 =	sor.u32 s3, s0;
	s1 =	sshll.u32 s1, $0x11  }
0xbc: {  	s0 =	sor.u32 s1, s0  }
0xbd: {  	s0 =	sadd.s32 $0x8F2B, s0  }
0xbe: {  	[sflag:s0] =	ssyncadd.remote.s32 $0x1  }
0xbf: {  	_ =	sfence.sel $0xFFFF  }
0xc0: {  	[dreg:$0x0] =	wrdreg $0xFFFFFFFF;
	(pc) =	sbr.abs _section_cstart, $3  }
0xc1: {  	[dreg:$0x1] =	wrdreg $0xFFFFFFFF  }
0xc2: {  	_ =	task.clear_ibuf [dreg:s6], $0x2FFFF;
	_ =	strace $0x9FFFFFFF  }
0xc3: {  	(tm) =	ssettm $0x7FFFFFFF  }
tec
execute0_lowered:
.L_overlay_start_1:
0x0: {  	(tag) =	ssettag $0x1  }
0x1: {  	s13 =	stileid.u32  }
0x2: {  	s6 =	smul.u32 $0xA00, s13  }
0x3: {  	s0 =	srdreg.scid;
	s7 =	smul.u32 $0x320, s13  }
0x4: {  	s1 =	rddreg [dreg:$0x0];
	s12 =	smul.u32 $0x32000, s13  }
0x5: {  	s2 =	rddreg [dreg:$0x1];
	s0 =	sand.u32 $0x1, s0;
	s15 =	smul.u32 $0xC800, s13  }
0x6: {  	s3 =	rddreg [dreg:$0x2];
	s4 =	simm.s32 $0x0;
	s5 =	smul.u32 $0xA000, s0  }
0x7: {  	[smem:$0x7FF] =	sst s4;
	s8 =	smul.u32 $0x3200, s0;
	s0 =	ssub.s32 $0x2, s0  }
0x8: {  	_ =	strace $0x80000047;
	s11 =	sshrl.u32 s0, $0x1;
	s16 =	sshrl.u32 s12, $0x2  }
0x9: {  	s18 =	sshrl.u32 s15, $0x2;
	s12 =	sadd.s32 $0x1E0, s7;
	s5 =	sadd.s32 s6, s5  }
0xa: {  	s8 =	sadd.s32 s7, s8;
	s6 =	sadd.s32 s6, s1;
	s0 =	ssub.s32 s0, s11  }
0xb: {  	s11 =	sadd.s32 s18, s3;
	s15 =	sshll.u32 s12, $0x6;
	s18 =	sadd.s32 $0x280, s7  }
0xc: {  	s9 =	sadd.s32 s5, s1;
	s10 =	sshll.u32 s8, $0x3;
	s5 =	sadd.s32 $0x20000, s1  }
0xd: {  	s8 =	sshll.u32 s8, $0x1;
	s6 =	sadd.s32 $0x2000, s6;
	s0 =	smax.u32 s0, $0x1  }
0xe: {  	s26 =	sadd.s32 s15, s2;
	s15 =	sshll.u32 s12, $0x4;
	s12 =	simm.s32 $0x2  }
0xf: {  	s10 =	sadd.s32 s10, s1;
	s1 =	sadd.s32 s8, s1;
	[dreg:$0x5] =	wrdreg s6  }
0x10: {  	s9 =	sadd.s32 $0xC000, s9;
	[dreg:$0x8] =	wrdreg s0;
	s0 =	sadd.s32 $0x50, s7  }
0x11: {  	s6 =	sadd.s32 $0xF0, s7;
	[dreg:$0xe] =	wrdreg s26;
	s28 =	sadd.s32 s15, s3  }
0x12: {  	s15 =	simm.s32 $0x9F80;
	[dreg:$0x4] =	wrdreg s9;
	s17 =	sadd.s32 $0x53A00, s10  }
0x13: {  	s9 =	sadd.s32 s16, s2;
	s1 =	sadd.s32 $0x47200, s1;
	s19 =	sshll.u32 s0, $0x6  }
0x14: {  	s21 =	sshll.u32 s6, $0x6;
	s10 =	sadd.s32 $0x190, s7;
	s16 =	sshll.u32 s18, $0x6  }
0x15: {  	s0 =	sshll.u32 s0, $0x4;
	s6 =	sshll.u32 s6, $0x4;
	[dreg:$0x6] =	wrdreg s17  }
0x16: {  	[dreg:$0x7] =	wrdreg s1;
	s1 =	sadd.s32 $0xA0, s7;
	s8 =	sadd.s32 s19, s2  }
0x17: {  	s23 =	sadd.s32 s21, s2;
	s14 =	sshll.u32 s10, $0x6;
	[dreg:$0x9] =	wrdreg s8  }
0x18: {  	s10 =	sshll.u32 s10, $0x4;
	s20 =	sshll.u32 s1, $0x6;
	[dreg:$0xb] =	wrdreg s23  }
0x19: {  	s8 =	sadd.s32 $0x140, s7;
	s25 =	sadd.s32 s14, s2;
	s14 =	sadd.s32 $0x230, s7  }
0x1a: {  	s7 =	sadd.s32 $0x2D0, s7;
	s1 =	sshll.u32 s1, $0x4;
	s22 =	sadd.s32 s20, s2  }
0x1b: {  	s24 =	sshll.u32 s8, $0x6;
	[dreg:$0xd] =	wrdreg s25;
	s26 =	sshll.u32 s14, $0x6  }
0x1c: {  	s17 =	sshll.u32 s7, $0x6;
	s20 =	sadd.s32 s16, s2;
	s23 =	sadd.s32 s1, s3  }
0x1d: {  	s8 =	sshll.u32 s8, $0x4;
	s16 =	sshll.u32 s14, $0x4;
	s1 =	simm.s32 $0xE800  }
0x1e: {  	s14 =	simm.s32 $0x9F00;
	[dreg:$0xa] =	wrdreg s22;
	s13 =	sadd.s32 s24, s2  }
0x1f: {  	s19 =	sadd.s32 s26, s2;
	s21 =	sadd.s32 s17, s2;
	s22 =	sadd.s32 s0, s3  }
0x20: {  	s24 =	sadd.s32 s6, s3;
	s25 =	sadd.s32 s8, s3;
	s26 =	sadd.s32 s10, s3  }
0x21: {  	s17 =	sshll.u32 s18, $0x4;
	s18 =	sshll.u32 s7, $0x4;
	s29 =	sadd.s32 s16, s3  }
0x22: {  	s0 =	simm.s32 $0x1;
	s6 =	simm.s32 $0xFC00;
	s7 =	simm.s32 $0x80  }
0x23: {  	v0 =	vimm.f32 $0.0e+00;
	vm0 =	vcmask $0x300;
	s8 =	simm.s32 $0xA000;
	s10 =	simm.s32 $0xC000;
	[dreg:$0xc] =	wrdreg s13  }
0x24: {  	v1 =	vsel vm0, $0x3F800000, v0;
	s30 =	sadd.s32 s17, s3;
	s31 =	sadd.s32 s18, s3;
	s13 =	simm.s32 $0xE000  }
.LBB2_1:
0x25: {  	s17 =	simm.s32 $0x100;
	s16 =	simm.s32 $0x0  }
.LBB2_2:
0x26: {  	p0 =	sne.s32 s17, $0x4F00;
	[tilespmem:s16+$0xE830] =	vst v0;
	s18 =	smov.u32 s17;
	s17 =	sadd.s32 $0x100, s17  }
.Ltmp0:
0x27: {  	[tilespmem:s16+$0xE820] =	vst v0;
	(pc) =	sbr.rel @p0 .LBB2_2-.Ltmp0, $3  }
0x28: {  	[tilespmem:s16+$0xE800] =	vst v0  }
0x29: {  	[tilespmem:s16+$0xE810] =	vst v0;
	_ =	sdelay $0x1  }
0x2a: {  	s16 =	sshra.s32 s18, $0x2  }
0x2b: {  	[tilespmem:s16+$0xE830] =	vst v0  }
0x2c: {  	[tilespmem:s16+$0xE820] =	vst v0  }
0x2d: {  	[tilespmem:s16+$0xE800] =	vst v0  }
0x2e: {  	[tilespmem:s16+$0xE810] =	vst v0;
	s16 =	simm.s32 $0x40;
	s17 =	simm.s32 $0x0  }
.LBB2_4:
0x2f: {  	p0 =	sne.s32 s16, $0x1FC0;
	[tilespmem:s17+$0xE000] =	vst v1;
	s17 =	smov.u32 s16;
	s16 =	sadd.s32 $0x40, s16  }
.Ltmp1:
0x30: {  	(pc) =	sbr.rel @p0 .LBB2_4-.Ltmp1, $2  }
0x31: {  	_ =	sdelay $0x2  }
0x32: {  	s17 =	sshra.s32 s17, $0x2  }
0x33: {  	[tilespmem:s17+$0xE000] =	vst v1;
	s16 =	simm.s32 $0x40;
	s17 =	simm.s32 $0x0  }
.LBB2_6:
0x34: {  	p0 =	sne.s32 s16, $0x13C0;
	[tilespmem:s17+$0xFC00] =	vst v0;
	s17 =	smov.u32 s16;
	s16 =	sadd.s32 $0x40, s16  }
.Ltmp2:
0x35: {  	(pc) =	sbr.rel @p0 .LBB2_6-.Ltmp2, $2  }
0x36: {  	_ =	sdelay $0x2  }
0x37: {  	s17 =	sshra.s32 s17, $0x2  }
0x38: {  	[tilespmem:s17+$0xFC00] =	vst v0  }
0x39: {  	[spmem:s9] =	stream.linear.scatter [tilespmem:s1], [sflag:$0x1], $0x1400, $0x38;
	[tilespmem:$0x1FB00] =	vst v63  }
0x3a: {  	_ =	swait.ge [sflag:s0], $0x1400  }
0x3b: {  	[sflag:s0] =	ssyncset.done $0x0  }
0x3c: {  	s16 =	rddreg [dreg:$0x9];
	[sflag:s0] =	ssyncadd.s32 $0xFFFFEC00  }
0x3d: {  	[spmem:s16] =	stream.linear.scatter [tilespmem:s1], [sflag:$0x1], $0x1400, $0x38;
	[tilespmem:$0x1FB00] =	vst v63  }
0x3e: {  	_ =	swait.ge [sflag:s0], $0x1400  }
0x3f: {  	[sflag:s0] =	ssyncset.done $0x0  }
0x40: {  	s17 =	rddreg [dreg:$0xa];
	[sflag:s0] =	ssyncadd.s32 $0xFFFFEC00  }
0x41: {  	[spmem:s17] =	stream.linear.scatter [tilespmem:s1], [sflag:$0x1], $0x1400, $0x38;
	[tilespmem:$0x1FB00] =	vst v63  }
0x42: {  	_ =	swait.ge [sflag:s0], $0x1400  }
0x43: {  	[sflag:s0] =	ssyncset.done $0x0  }
0x44: {  	s18 =	rddreg [dreg:$0xb];
	[sflag:s0] =	ssyncadd.s32 $0xFFFFEC00  }
0x45: {  	[spmem:s18] =	stream.linear.scatter [tilespmem:s1], [sflag:$0x1], $0x1400, $0x38;
	[tilespmem:$0x1FB00] =	vst v63  }
0x46: {  	_ =	swait.ge [sflag:s0], $0x1400  }
0x47: {  	[sflag:s0] =	ssyncset.done $0x0  }
0x48: {  	s17 =	rddreg [dreg:$0xc];
	[sflag:s0] =	ssyncadd.s32 $0xFFFFEC00  }
0x49: {  	[spmem:s17] =	stream.linear.scatter [tilespmem:s1], [sflag:$0x1], $0x1400, $0x38;
	[tilespmem:$0x1FB00] =	vst v63  }
0x4a: {  	_ =	swait.ge [sflag:s0], $0x1400  }
0x4b: {  	[sflag:s0] =	ssyncset.done $0x0  }
0x4c: {  	s18 =	rddreg [dreg:$0xd];
	[sflag:s0] =	ssyncadd.s32 $0xFFFFEC00  }
0x4d: {  	[spmem:s18] =	stream.linear.scatter [tilespmem:s1], [sflag:$0x1], $0x1400, $0x38;
	[tilespmem:$0x1FB00] =	vst v63  }
0x4e: {  	_ =	swait.ge [sflag:s0], $0x1400  }
0x4f: {  	[sflag:s0] =	ssyncset.done $0x0  }
0x50: {  	s17 =	rddreg [dreg:$0xe];
	[sflag:s0] =	ssyncadd.s32 $0xFFFFEC00  }
0x51: {  	[spmem:s17] =	stream.linear.scatter [tilespmem:s1], [sflag:$0x1], $0x1400, $0x38;
	[tilespmem:$0x1FB00] =	vst v63  }
0x52: {  	_ =	swait.ge [sflag:s0], $0x1400  }
0x53: {  	[sflag:s0] =	ssyncset.done $0x0  }
0x54: {  	[sflag:s0] =	ssyncadd.s32 $0xFFFFEC00  }
0x55: {  	[spmem:s19] =	stream.linear.scatter [tilespmem:s1], [sflag:$0x1], $0x1400, $0x38;
	[tilespmem:$0x1FB00] =	vst v63  }
0x56: {  	_ =	swait.ge [sflag:s0], $0x1400  }
0x57: {  	[sflag:s0] =	ssyncset.done $0x0  }
0x58: {  	[sflag:s0] =	ssyncadd.s32 $0xFFFFEC00  }
0x59: {  	[spmem:s20] =	stream.linear.scatter [tilespmem:s1], [sflag:$0x1], $0x1400, $0x38;
	[tilespmem:$0x1FB00] =	vst v63  }
0x5a: {  	_ =	swait.ge [sflag:s0], $0x1400  }
0x5b: {  	[sflag:s0] =	ssyncset.done $0x0  }
0x5c: {  	[sflag:s0] =	ssyncadd.s32 $0xFFFFEC00  }
0x5d: {  	[spmem:s21] =	stream.linear.scatter [tilespmem:s1], [sflag:$0x1], $0x1400, $0x38;
	[tilespmem:$0x1FB00] =	vst v63  }
0x5e: {  	_ =	swait.ge [sflag:s0], $0x1400  }
0x5f: {  	[sflag:s0] =	ssyncset.done $0x0  }
0x60: {  	[sflag:s0] =	ssyncadd.s32 $0xFFFFEC00  }
0x61: {  	[spmem:s11] =	stream.linear.scatter [tilespmem:s6], [sflag:$0x1], $0x500, $0x38;
	[tilespmem:$0x1FB00] =	vst v63  }
0x62: {  	_ =	swait.ge [sflag:s0], $0x500  }
0x63: {  	[sflag:s0] =	ssyncset.done $0x0  }
0x64: {  	[sflag:s0] =	ssyncadd.s32 $0xFFFFFB00  }
0x65: {  	[spmem:s22] =	stream.linear.scatter [tilespmem:s6], [sflag:$0x1], $0x500, $0x38;
	[tilespmem:$0x1FB00] =	vst v63  }
0x66: {  	_ =	swait.ge [sflag:s0], $0x500  }
0x67: {  	[sflag:s0] =	ssyncset.done $0x0  }
0x68: {  	[sflag:s0] =	ssyncadd.s32 $0xFFFFFB00  }
0x69: {  	[spmem:s23] =	stream.linear.scatter [tilespmem:s6], [sflag:$0x1], $0x500, $0x38;
	[tilespmem:$0x1FB00] =	vst v63  }
0x6a: {  	_ =	swait.ge [sflag:s0], $0x500  }
0x6b: {  	[sflag:s0] =	ssyncset.done $0x0  }
0x6c: {  	[sflag:s0] =	ssyncadd.s32 $0xFFFFFB00  }
0x6d: {  	[spmem:s24] =	stream.linear.scatter [tilespmem:s6], [sflag:$0x1], $0x500, $0x38;
	[tilespmem:$0x1FB00] =	vst v63  }
0x6e: {  	_ =	swait.ge [sflag:s0], $0x500  }
0x6f: {  	[sflag:s0] =	ssyncset.done $0x0  }
0x70: {  	[sflag:s0] =	ssyncadd.s32 $0xFFFFFB00  }
0x71: {  	[spmem:s25] =	stream.linear.scatter [tilespmem:s6], [sflag:$0x1], $0x500, $0x38;
	[tilespmem:$0x1FB00] =	vst v63  }
0x72: {  	_ =	swait.ge [sflag:s0], $0x500  }
0x73: {  	[sflag:s0] =	ssyncset.done $0x0  }
0x74: {  	[sflag:s0] =	ssyncadd.s32 $0xFFFFFB00  }
0x75: {  	[spmem:s26] =	stream.linear.scatter [tilespmem:s6], [sflag:$0x1], $0x500, $0x38;
	[tilespmem:$0x1FB00] =	vst v63  }
0x76: {  	_ =	swait.ge [sflag:s0], $0x500  }
0x77: {  	[sflag:s0] =	ssyncset.done $0x0  }
0x78: {  	[sflag:s0] =	ssyncadd.s32 $0xFFFFFB00  }
0x79: {  	[spmem:s28] =	stream.linear.scatter [tilespmem:s6], [sflag:$0x1], $0x500, $0x38;
	[tilespmem:$0x1FB00] =	vst v63  }
0x7a: {  	_ =	swait.ge [sflag:s0], $0x500  }
0x7b: {  	[sflag:s0] =	ssyncset.done $0x0  }
0x7c: {  	[sflag:s0] =	ssyncadd.s32 $0xFFFFFB00  }
0x7d: {  	[spmem:s29] =	stream.linear.scatter [tilespmem:s6], [sflag:$0x1], $0x500, $0x38;
	[tilespmem:$0x1FB00] =	vst v63  }
0x7e: {  	_ =	swait.ge [sflag:s0], $0x500  }
0x7f: {  	[sflag:s0] =	ssyncset.done $0x0  }
0x80: {  	[sflag:s0] =	ssyncadd.s32 $0xFFFFFB00  }
0x81: {  	[spmem:s30] =	stream.linear.scatter [tilespmem:s6], [sflag:$0x1], $0x500, $0x38;
	[tilespmem:$0x1FB00] =	vst v63  }
0x82: {  	_ =	swait.ge [sflag:s0], $0x500  }
0x83: {  	[sflag:s0] =	ssyncset.done $0x0  }
0x84: {  	[sflag:s0] =	ssyncadd.s32 $0xFFFFFB00  }
0x85: {  	[spmem:s31] =	stream.linear.scatter [tilespmem:s6], [sflag:$0x1], $0x500, $0x38;
	[tilespmem:$0x1FB00] =	vst v63  }
0x86: {  	_ =	swait.ge [sflag:s0], $0x500  }
0x87: {  	[sflag:s0] =	ssyncset.done $0x0  }
0x88: {  	[sflag:s0] =	ssyncadd.s32 $0xFFFFFB00  }
0x89: {  	[bflag:$0x0] =	sbarrier.arrive $0xFFFF  }
0x8a: {  	s16 =	simm.s32 $0x0;
	s18 =	rddreg [dreg:$0x4]  }
0x8b: {  	[tilespmem:s16], [sflag:$0x1] =	stream.linear.gather [hbm4b:s18+s16], $0x5000, $0x38;
	[tilespmem:$0x1FB00] =	vst v63  }
0x8c: {  	_ =	swait.ge [sflag:s0], $0x5000  }
0x8d: {  	[sflag:s0] =	ssyncset.done $0x0  }
0x8e: {  	s18 =	simm.s32 $0x5000;
	s17 =	rddreg [dreg:$0x5];
	[sflag:s0] =	ssyncadd.s32 $0xFFFFB000  }
0x8f: {  	[tilespmem:s18], [sflag:$0x1] =	stream.linear.gather [hbm4b:s17+s16], $0x5000, $0x38;
	[tilespmem:$0x1FB00] =	vst v63  }
0x90: {  	_ =	swait.ge [sflag:s0], $0x5000  }
0x91: {  	[sflag:s0] =	ssyncset.done $0x0  }
0x92: {  	[sflag:s0] =	ssyncadd.s32 $0xFFFFB000  }
0x93: {  	[tilespmem:s8], [sflag:$0x1] =	stream.indirect.gather [hbm4b:s5+s7], $0x40, s16, s7, $0xb8;
	[tilespmem:$0x1FB00] =	vst v63  }
0x94: {  	_ =	swait.ge [sflag:s0], $0x2000  }
0x95: {  	[sflag:s0] =	ssyncset.done $0x0  }
0x96: {  	s17 =	simm.s32 $0x80;
	[sflag:s0] =	ssyncadd.s32 $0xFFFFE000  }
0x97: {  	[tilespmem:s10], [sflag:$0x1] =	stream.indirect.gather [hbm4b:s5+s7], $0x40, s17, s7, $0xb8;
	[tilespmem:$0x1FB00] =	vst v63  }
0x98: {  	s18 =	simm.s32 $0x5000  }
0x99: {  	[spmem:s2] =	stream.indirect.scatter.add.f32 [tilespmem:s8], [sflag:$0x2], $0x40, s18, s7, $0xb8;
	[tilespmem:$0x1FB00] =	vst v63  }
0x9a: {  	_ =	swait.ge [sflag:s12], $0x2000  }
0x9b: {  	[sflag:s12] =	ssyncset.done $0x0  }
0x9c: {  	[sflag:s12] =	ssyncadd.s32 $0xFFFFE000  }
0x9d: {  	[spmem:s3] =	stream.indirect.scatter.add.f32 [tilespmem:s13], [sflag:$0x2], $0x10, s18, s7, $0xb8;
	[tilespmem:$0x1FB00] =	vst v63  }
0x9e: {  	_ =	swait.ge [sflag:s12], $0x800  }
0x9f: {  	[sflag:s12] =	ssyncset.done $0x0  }
0xa0: {  	[sflag:s12] =	ssyncadd.s32 $0xFFFFF800  }
0xa1: {  	_ =	swait.ge [sflag:s0], $0x2000  }
0xa2: {  	[sflag:s0] =	ssyncset.done $0x0  }
0xa3: {  	s17 =	simm.s32 $0x100;
	[sflag:s0] =	ssyncadd.s32 $0xFFFFE000  }
0xa4: {  	[tilespmem:s8], [sflag:$0x1] =	stream.indirect.gather [hbm4b:s5+s7], $0x40, s17, s7, $0xb8;
	[tilespmem:$0x1FB00] =	vst v63  }
0xa5: {  	s18 =	simm.s32 $0x5080  }
0xa6: {  	[spmem:s2] =	stream.indirect.scatter.add.f32 [tilespmem:s10], [sflag:$0x2], $0x40, s18, s7, $0xb8;
	[tilespmem:$0x1FB00] =	vst v63  }
0xa7: {  	_ =	swait.ge [sflag:s12], $0x2000  }
0xa8: {  	[sflag:s12] =	ssyncset.done $0x0  }
0xa9: {  	[sflag:s12] =	ssyncadd.s32 $0xFFFFE000  }
0xaa: {  	[spmem:s3] =	stream.indirect.scatter.add.f32 [tilespmem:s13], [sflag:$0x2], $0x10, s18, s7, $0xb8;
	[tilespmem:$0x1FB00] =	vst v63  }
0xab: {  	_ =	swait.ge [sflag:s12], $0x800  }
0xac: {  	s16 =	simm.s32 $0x400;
	[sflag:s12] =	ssyncset.done $0x0  }
.LBB2_8:
0xad: {  	p0 =	sne.s32 s16, $0x13800  }
0xae: {  	[sflag:s12] =	ssyncadd.s32 $0xFFFFF800;
	s17 =	smov.u32 s16;
	s16 =	sadd.s32 $0x400, s16  }
0xaf: {  	_ =	swait.ge [sflag:s0], $0x2000  }
0xb0: {  	s17 =	sshra.s32 s17, $0x2;
	[sflag:s0] =	ssyncset.done $0x0  }
0xb1: {  	s18 =	sadd.s32 $0x80, s17;
	[sflag:s0] =	ssyncadd.s32 $0xFFFFE000  }
0xb2: {  	[tilespmem:s10], [sflag:$0x1] =	stream.indirect.gather [hbm4b:s5+s7], $0x40, s18, s7, $0xb8;
	[tilespmem:$0x1FB00] =	vst v63  }
0xb3: {  	s18 =	sadd.s32 $0x5000, s17  }
0xb4: {  	[spmem:s2] =	stream.indirect.scatter.add.f32 [tilespmem:s8], [sflag:$0x2], $0x40, s18, s7, $0xb8;
	[tilespmem:$0x1FB00] =	vst v63  }
0xb5: {  	_ =	swait.ge [sflag:s12], $0x2000  }
0xb6: {  	[sflag:s12] =	ssyncset.done $0x0  }
0xb7: {  	[sflag:s12] =	ssyncadd.s32 $0xFFFFE000  }
0xb8: {  	[spmem:s3] =	stream.indirect.scatter.add.f32 [tilespmem:s13], [sflag:$0x2], $0x10, s18, s7, $0xb8;
	[tilespmem:$0x1FB00] =	vst v63  }
0xb9: {  	_ =	swait.ge [sflag:s12], $0x800  }
0xba: {  	[sflag:s12] =	ssyncset.done $0x0  }
0xbb: {  	[sflag:s12] =	ssyncadd.s32 $0xFFFFF800  }
0xbc: {  	_ =	swait.ge [sflag:s0], $0x2000  }
0xbd: {  	[sflag:s0] =	ssyncset.done $0x0  }
0xbe: {  	s18 =	sadd.s32 $0x100, s17;
	[sflag:s0] =	ssyncadd.s32 $0xFFFFE000  }
0xbf: {  	[tilespmem:s8], [sflag:$0x1] =	stream.indirect.gather [hbm4b:s5+s7], $0x40, s18, s7, $0xb8;
	[tilespmem:$0x1FB00] =	vst v63  }
0xc0: {  	s17 =	sadd.s32 $0x5080, s17  }
0xc1: {  	[spmem:s2] =	stream.indirect.scatter.add.f32 [tilespmem:s10], [sflag:$0x2], $0x40, s17, s7, $0xb8;
	[tilespmem:$0x1FB00] =	vst v63  }
0xc2: {  	_ =	swait.ge [sflag:s12], $0x2000  }
.Ltmp3:
0xc3: {  	[sflag:s12] =	ssyncset.done $0x0;
	(pc) =	sbr.rel @p0 .LBB2_8-.Ltmp3, $4  }
0xc4: {  	[sflag:s12] =	ssyncadd.s32 $0xFFFFE000  }
0xc5: {  	[spmem:s3] =	stream.indirect.scatter.add.f32 [tilespmem:s13], [sflag:$0x2], $0x10, s17, s7, $0xb8;
	[tilespmem:$0x1FB00] =	vst v63  }
0xc6: {  	_ =	swait.ge [sflag:s12], $0x800  }
0xc7: {  	[sflag:s12] =	ssyncset.done $0x0  }
0xc8: {  	[sflag:s12] =	ssyncadd.s32 $0xFFFFF800  }
0xc9: {  	_ =	swait.ge [sflag:s0], $0x2000  }
0xca: {  	[sflag:s0] =	ssyncset.done $0x0  }
0xcb: {  	s16 =	simm.s32 $0x4F80;
	[sflag:s0] =	ssyncadd.s32 $0xFFFFE000  }
0xcc: {  	[tilespmem:s10], [sflag:$0x1] =	stream.indirect.gather [hbm4b:s5+s7], $0x40, s16, s7, $0xb8;
	[tilespmem:$0x1FB00] =	vst v63  }
0xcd: {  	_ = 	snop  }
0xce: {  	[spmem:s2] =	stream.indirect.scatter.add.f32 [tilespmem:s8], [sflag:$0x2], $0x40, s14, s7, $0xb8;
	[tilespmem:$0x1FB00] =	vst v63  }
0xcf: {  	_ =	swait.ge [sflag:s12], $0x2000  }
0xd0: {  	[sflag:s12] =	ssyncset.done $0x0  }
0xd1: {  	[sflag:s12] =	ssyncadd.s32 $0xFFFFE000  }
0xd2: {  	[spmem:s3] =	stream.indirect.scatter.add.f32 [tilespmem:s13], [sflag:$0x2], $0x10, s14, s7, $0xb8;
	[tilespmem:$0x1FB00] =	vst v63  }
0xd3: {  	_ =	swait.ge [sflag:s12], $0x800  }
0xd4: {  	[sflag:s12] =	ssyncset.done $0x0  }
0xd5: {  	[sflag:s12] =	ssyncadd.s32 $0xFFFFF800  }
0xd6: {  	_ =	swait.ge [sflag:s0], $0x2000  }
0xd7: {  	[sflag:s0] =	ssyncset.done $0x0  }
0xd8: {  	[sflag:s0] =	ssyncadd.s32 $0xFFFFE000  }
0xd9: {  	[spmem:s2] =	stream.indirect.scatter.add.f32 [tilespmem:s10], [sflag:$0x2], $0x40, s15, s7, $0xb8;
	[tilespmem:$0x1FB00] =	vst v63  }
0xda: {  	_ =	swait.ge [sflag:s12], $0x2000  }
0xdb: {  	[sflag:s12] =	ssyncset.done $0x0  }
0xdc: {  	[sflag:s12] =	ssyncadd.s32 $0xFFFFE000  }
0xdd: {  	[spmem:s3] =	stream.indirect.scatter.add.f32 [tilespmem:s13], [sflag:$0x2], $0x10, s15, s7, $0xb8;
	[tilespmem:$0x1FB00] =	vst v63  }
0xde: {  	_ =	swait.ge [sflag:s12], $0x800  }
0xdf: {  	[sflag:s12] =	ssyncset.done $0x0  }
0xe0: {  	s17 =	stileid.u32;
	[sflag:s12] =	ssyncadd.s32 $0xFFFFF800  }
0xe1: {  	s16 =	sshll.u32 s17, $0x6;
	[bflag:$0x0] =	sbarrier.arrive $0xFFFF  }
0xe2: {  	s17 =	sshrl.u32 s9, $0x3;
	s16 =	sor.u32 $0x1C01, s16;
	s18 =	rddreg [dreg:$0x6]  }
0xe3: {  	[hbm:s18], [sflag:s16] =	dma.local [spmem:s17], $0x1900  }
0xe4: {  	_ =	swait.ge [sflag:s0], $0x1900  }
0xe5: {  	[sflag:s0] =	ssyncset.done $0x0  }
0xe6: {  	s17 =	sshrl.u32 s11, $0x3;
	s18 =	rddreg [dreg:$0x7];
	[sflag:s0] =	ssyncadd.s32 $0xFFFFE700  }
0xe7: {  	[hbm:s18], [sflag:s16] =	dma.local [spmem:s17], $0x640  }
0xe8: {  	_ =	swait.ge [sflag:s0], $0x640  }
0xe9: {  	s4 =	sadd.s32 $0x1, s4;
	s18 =	rddreg [dreg:$0x8]  }
0xea: {  	p0 =	sne.s32 s4, s18  }
.Ltmp4:
0xeb: {  	_ = 	snop;
	(pc) =	sbr.rel @p0 .LBB2_1-.Ltmp4, $3  }
0xec: {  	_ =	sdelay $0x1  }
0xed: {  	[sflag:s0] =	ssyncset.done $0x0  }
0xee: {  	[sflag:s0] =	ssyncadd.s32 $0xFFFFF9C0  }
0xef: {  	_ =	sfence.sel $0x180000  }
0xf0: {  	[bflag:$0x0] =	sbarrier.arrive $0xFFFF  }
0xf1: {  	_ =	strace $0x90000047  }
0xf2: {  	s0 =	stileid.u32;
	[bflag:$0x2] =	sbarrier.arrive $0xFFFF  }
0xf3: {  	p0 =	sne.s32 s0, $0x0;
	s0 =	rddreg [dreg:$0x3]  }
0xf4: {  	s0 =	sadd.s32 @!p0 $0x100000, s0  }
0xf5: {  	[sflag:s0] =	ssyncadd.tile.s32 @!p0 $0x1;
	_ =	shalt  }
.Lfunc_end2:
_tile_overlayer_lowered:
.L_overlay_start_2:
0xf6: {  	(tag) =	ssettag $0x2  }
0xf7: {  	s0 =	rddreg [dreg:$0x0];
	s2 =	stileid.u32  }
0xf8: {  	s1 =	rddreg [dreg:$0x1];
	p0 =	sne.s32 s2, $0x0  }
0xf9: {  	s3 =	rddreg [dreg:$0x2];
	[bflag:$0x3] =	sbarrier.arrive $0xFFFF;
	s2 =	simm.s32 @!p0 $0x1C01  }
0xfa: {  	[timem:s3], [sflag:s2] =	dma.local @!p0 [hbm:s0], s1  }
0xfb: {  	s0 =	simm.s32 @!p0 $0x1  }
0xfc: {  	_ =	swait.ge @!p0 [sflag:s0], s1  }
0xfd: {  	s1 =	ssub.s32 @!p0 $0x0, s1;
	[sflag:s0] =	ssyncset.done @!p0 $0x0  }
0xfe: {  	[sflag:s0] =	ssyncadd.s32 @!p0 s1  }
0xff: {  	[bflag:$0x3] =	sbarrier.arrive $0xFFFF  }
0x100: {  	_ =	shalt  }

// kernel: kernel.9.cloned.1.call-start
scs
__scs_entry_jumppad:
0x0: {  	(pc) =	sbr.rel $0x88, $3  }
0x1: {  	(tag) =	ssettag $0x0;
	lr =	simm.s32 $0x1  }
0x2: {  	[smem:$0x3F95] =	sst lr;
	_ =	strace $0xD0000000  }
0x3: {  	_ = 	snop  }
0x4: {  	_ = 	snop  }
0x5: {  	_ = 	snop  }
0x6: {  	_ = 	snop  }
0x7: {  	_ = 	snop  }
__scs_overlays_trampoline_lowered:
0x8: {  	[smem:$0x3FA4] =	sst s0  }
0x9: {  	[smem:$0x3FA5] =	sst s1  }
0xa: {  	[smem:$0x3FA6] =	sst s2  }
0xb: {  	[smem:$0x3FA7] =	sst s3  }
0xc: {  	[smem:$0x3FA8] =	sst s4  }
0xd: {  	[smem:$0x3FA9] =	sst s5  }
0xe: {  	[smem:$0x3FAA] =	sst s6  }
0xf: {  	[smem:$0x3FAB] =	sst s7  }
0x10: {  	[smem:$0x3FAC] =	sst s8  }
0x11: {  	[smem:$0x3FAD] =	sst s9;
	s0 =	simm.s32 @!p0 $0x0  }
0x12: {  	s1 =	sld [smem:$0x3F93];
	s0 =	simm.s32 @p0 $0x1  }
0x13: {  	[smem:$0x3FAE] =	sst s0;
	s0 =	simm.s32 @!p1 $0x0  }
0x14: {  	s2 =	sld [smem:$0x3F92];
	s0 =	simm.s32 @p1 $0x1  }
0x15: {  	[smem:$0x3FAF] =	sst s0;
	s0 =	simm.s32 @!p2 $0x0  }
0x16: {  	s3 =	sld [smem:$0x3FDB];
	s0 =	simm.s32 @p2 $0x1  }
0x17: {  	s4 =	simm.s32 $0x1BF5;
	[smem:$0x3FB1] =	sst s0  }
0x18: {  	s0 =	sld [smem:$0x3F94];
	_ =	swait.ge [sflag:s4], $0x0  }
0x19: {  	s7 =	sld [smem:$0x3F95]  }
0x1a: {  	s8 =	sadd.s32 $0xFFFFE003, lr  }
0x1b: {  	s9 =	sadd.s32 $0xFFFFFEF7, lr;
	s5 =	simm.s32 $0xFFFFFFFF;
	p2 =	slt.u32 s8, $0xFFFFF086  }
0x1c: {  	p1 =	slt.u32 s9, $0xF7A;
	s5 =	simm.s32 @!p2 $0x0  }
0x1d: {  	s5 =	simm.s32 @p1 $0x1;
	p0 =	seq.s32 s7, s2  }
0x1e: {  	s7 =	smul.u32 @!p0 $0xF7A, s2;
	p2 =	seq.s32 @!p0 s5, $0x0  }
0x1f: {  	s9 =	smul.u32 $0xF7A, s1;
	s8 =	simm.s32 @!p0 $0x1BF5;
	p2 =	por !p2, p0  }
0x20: {  	[sflag:s8] =	ssyncset.s32 @!p0 $0xFFFFF086;
	s6 =	sadd.s32 @!p0 s3, s7;
	s7 =	simm.s32 @!p0 $0x108  }
0x21: {  	s3 =	sadd.s32 s3, s9;
	s6 =	sadd.s32 @!p0 $0x88, s6;
	s7 =	simm.s32 @p2 $0x1082  }
0x22: {  	[simem:s7], [sflag:s8] =	dma.local @!p0 [hbm:s6], $0xF7A  }
0x23: {  	s9 =	sor.u32 $0xD0000000, s2;
	s6 =	simm.s32 $0x108;
	_ =	swait.ge @!p0 [sflag:s8], $0x0  }
0x24: {  	s3 =	sadd.s32 $0x88, s3;
	s6 =	simm.s32 @!p1 $0x1082;
	[sflag:s4] =	ssyncset.s32 $0xFFFFF086  }
0x25: {  	[simem:s6], [sflag:s4] =	dma.local [hbm:s3], $0xF7A  }
0x26: {  	[smem:$0x3F95] =	sst s1;
	(tag) =	ssettag s2;
	_ =	strace s9  }
0x27: {  	s1 =	sld [smem:$0x3FA5]  }
0x28: {  	s2 =	sld [smem:$0x3FA6]  }
0x29: {  	s4 =	sld [smem:$0x3FA8]  }
0x2a: {  	p0 =	seq.s32 s5, $0x0;
	s5 =	sld [smem:$0x3FA9]  }
0x2b: {  	s6 =	sld [smem:$0x3FAA]  }
0x2c: {  	s7 =	sld [smem:$0x3FAB]  }
0x2d: {  	s3 =	simm.s32 $0x108;
	s8 =	sld [smem:$0x3FAC]  }
0x2e: {  	s3 =	simm.s32 @!p0 $0x1082;
	s9 =	sld [smem:$0x3FAD]  }
0x2f: {  	lr =	sadd.s32 s0, s3;
	s0 =	sld [smem:$0x3FA4]  }
0x30: {  	s3 =	sld [smem:$0x3FA7]  }
0x31: {  	[smem:$0x3FB0] =	sst s10  }
0x32: {  	s10 =	sld [smem:$0x3FAE];
	_ =	sdelay $0x3  }
0x33: {  	p0 =	seq.s32 s10, $0x1;
	s10 =	sld [smem:$0x3FB0];
	_ =	sdelay $0x3  }
0x34: {  	[smem:$0x3FB0] =	sst s10  }
0x35: {  	s10 =	sld [smem:$0x3FAF];
	_ =	sdelay $0x3  }
0x36: {  	p1 =	seq.s32 s10, $0x1;
	s10 =	sld [smem:$0x3FB0];
	_ =	sdelay $0x3  }
0x37: {  	[smem:$0x3FB0] =	sst s10  }
0x38: {  	s10 =	sld [smem:$0x3FB1]  }
0x39: {  	_ = 	snop;
	(pc) =	sbr.ind lr, $3  }
0x3a: {  	_ = 	snop  }
0x3b: {  	_ = 	snop  }
0x3c: {  	p2 =	seq.s32 s10, $0x1;
	s10 =	sld [smem:$0x3FB0]  }
0x3d: {  	_ =	shalt  }
0x3e: {  	_ =	shalt  }
0x3f: {  	_ =	shalt  }
0x40: {  	_ =	shalt  }
0x41: {  	_ =	shalt  }
0x42: {  	_ =	shalt  }
0x43: {  	_ =	shalt  }
0x44: {  	_ =	shalt  }
0x45: {  	_ =	shalt  }
0x46: {  	_ =	shalt  }
0x47: {  	_ =	shalt  }
0x48: {  	_ =	shalt  }
0x49: {  	_ =	shalt  }
0x4a: {  	_ =	shalt  }
0x4b: {  	_ =	shalt  }
0x4c: {  	_ =	shalt  }
0x4d: {  	_ =	shalt  }
0x4e: {  	_ =	shalt  }
0x4f: {  	_ =	shalt  }
0x50: {  	_ =	shalt  }
0x51: {  	_ =	shalt  }
0x52: {  	_ =	shalt  }
0x53: {  	_ =	shalt  }
0x54: {  	_ =	shalt  }
0x55: {  	_ =	shalt  }
0x56: {  	_ =	shalt  }
0x57: {  	_ =	shalt  }
0x58: {  	_ =	shalt  }
0x59: {  	_ =	shalt  }
0x5a: {  	_ =	shalt  }
0x5b: {  	_ =	shalt  }
0x5c: {  	_ =	shalt  }
0x5d: {  	_ =	shalt  }
0x5e: {  	_ =	shalt  }
0x5f: {  	_ =	shalt  }
0x60: {  	_ =	shalt  }
0x61: {  	_ =	shalt  }
0x62: {  	_ =	shalt  }
0x63: {  	_ =	shalt  }
0x64: {  	_ =	shalt  }
0x65: {  	_ =	shalt  }
0x66: {  	_ =	shalt  }
0x67: {  	_ =	shalt  }
0x68: {  	_ =	shalt  }
0x69: {  	_ =	shalt  }
0x6a: {  	_ =	shalt  }
0x6b: {  	_ =	shalt  }
0x6c: {  	_ =	shalt  }
0x6d: {  	_ =	shalt  }
0x6e: {  	_ =	shalt  }
0x6f: {  	_ =	shalt  }
0x70: {  	_ =	shalt  }
0x71: {  	_ =	shalt  }
0x72: {  	_ =	shalt  }
0x73: {  	_ =	shalt  }
0x74: {  	_ =	shalt  }
0x75: {  	_ =	shalt  }
0x76: {  	_ =	shalt  }
0x77: {  	_ =	shalt  }
0x78: {  	_ =	shalt  }
0x79: {  	_ =	shalt  }
0x7a: {  	_ =	shalt  }
0x7b: {  	_ =	shalt  }
0x7c: {  	_ =	shalt  }
0x7d: {  	_ =	shalt  }
0x7e: {  	_ =	shalt  }
0x7f: {  	_ =	shalt  }
0x80: {  	_ =	shalt  }
0x81: {  	_ =	shalt  }
0x82: {  	_ =	shalt  }
0x83: {  	_ =	shalt  }
0x84: {  	_ =	shalt  }
0x85: {  	_ =	shalt  }
0x86: {  	_ =	shalt  }
0x87: {  	_ =	shalt  }
.Lfunc_end0:
.L_simem_size_0:
called_computation.1_lowered:
.L_overlay_start_0:
0x88: {  	s2 =	sld [smem:$0x3FD9]  }
0x89: {  	s3 =	sld [smem:$0x3FFE];
	_ =	sdelay $0x1  }
0x8a: {  	s1 =	srdreg.scid  }
0x8b: {  	s0 =	sand.u32 $0x1, s1  }
0x8c: {  	s16 =	sshll.u32 s0, $0xA;
	s2 =	sadd.s32 s3, s2  }
0x8d: {  	s2 =	sadd.s32 s2, s16  }
0x8e: {  	[smem:$0x3FBC] =	sst s2  }
0x8f: {  	_ = 	snop  }
0x90: {  	(tm) =	ssettm $0x1  }
0x91: {  	s17 =	sld [smem:$0x3FFB];
	_ =	sdelay $0x3  }
0x92: {  	_ =	strace s17  }
0x93: {  	s2 =	sld [smem:$0x3FFC];
	_ =	sdelay $0x3  }
0x94: {  	_ =	strace s2  }
0x95: {  	s2 =	sld [smem:$0x3FFD];
	_ =	sdelay $0x3  }
0x96: {  	_ =	strace s2  }
0x97: {  	_ =	strace $0x8FFFFFFF  }
0x98: {  	s18 =	sld [smem:$0x3FDB];
	_ =	sdelay $0x1  }
0x99: {  	s19 =	simm.s32 $_scs_section_size  }
0x9a: {  	s4 =	simm.s32 $_size__tile_overlayer_lowered;
	s5 =	simm.s32 $_tile_overlayer_lowered  }
0x9b: {  	s22 =	simm.s32 $0x1BFF;
	s21 =	sshll.u32 s5, $0x1;
	s2 =	sadd.s32 s19, s18  }
0x9c: {  	s6 =	simm.s32 $0x0;
	s20 =	sshll.u32 s4, $0x1;
	s4 =	sadd.s32 s21, s2  }
0x9d: {  	[timem:s6], [sflag:s22] =	dma.local [hbm:s4], s20  }
0x9e: {  	_ =	swait.ge [sflag:s22], s20  }
0x9f: {  	s3 =	ssub.s32 $0x0, s20;
	[sflag:s22] =	ssyncset.done $0x0  }
0xa0: {  	[sflag:s22] =	ssyncadd.s32 s3;
	_ =	sdelay $0x1  }
0xa1: {  	s23 =	simm.s32 $0x1B8B  }
0xa2: {  	_ =	swait.ge [sflag:s23], $0x1  }
0xa3: {  	[sflag:s23] =	ssyncset.done $0x0  }
0xa4: {  	s25 =	simm.s32 $0x1B8E;
	s24 =	sld [smem:$0x3FFE];
	[sflag:s23] =	ssyncadd.s32 $0xFFFFFFFF  }
0xa5: {  	s26 =	simm.s32 $execute0_lowered;
	[smem:$0x3FD2] =	sst s25  }
0xa6: {  	s4 =	sshll.u32 s26, $0x1;
	_ =	strace $0x80000049;
	[dreg:$0x1] =	wrdreg $0xFFFFFFFF  }
0xa7: {  	s28 =	simm.s32 $_size_execute0_lowered;
	s2 =	sadd.s32 s2, s4;
	[dreg:$0x0] =	wrdreg $0x0  }
0xa8: {  	s4 =	sshll.u32 s28, $0x1;
	[dreg:$0x2] =	wrdreg s2  }
0xa9: {  	[dreg:$0x3] =	wrdreg s4  }
0xaa: {  	[dreg:$0x4] =	wrdreg $0xC0  }
0xab: {  	_ =	task [dreg:s6], $0x5FFFF  }
0xac: {  	[dreg:$0x1] =	wrdreg $0xFFFFFFFF  }
0xad: {  	[dreg:$0x0] =	wrdreg $0x60  }
0xae: {  	[dreg:$0x2] =	wrdreg s24  }
0xaf: {  	[dreg:$0x3] =	wrdreg $0xF4000  }
0xb0: {  	[dreg:$0x4] =	wrdreg $0x9  }
0xb1: {  	_ =	task.clear_ibuf [dreg:s6], $0x5FFFF;
	_ =	strace $0x90000049  }
0xb2: {  	s29 =	simm.s32 $0x9;
	_ =	strace $0x8000004B  }
0xb3: {  	_ =	swait.ge [sflag:s29], $0x1  }
0xb4: {  	[sflag:s29] =	ssyncadd.s32 $0xFFFFFFFF  }
0xb5: {  	_ =	strace $0x9000004B  }
0xb6: {  	_ =	sfence  }
0xb7: {  	s30 =	sld [smem:$0x0];
	_ =	sdelay $0x2  }
0xb8: {  	s31 =	sshll.u32 s1, $0xD;
	s1 =	sshrl.u32 s1, $0x2  }
0xb9: {  	s3 =	sand.u32 $0x4000, s31;
	s1 =	sadd.s32 s1, s30  }
0xba: {  	s0 =	sor.u32 s3, s0;
	s1 =	sshll.u32 s1, $0x11  }
0xbb: {  	s0 =	sor.u32 s1, s0  }
0xbc: {  	s0 =	sadd.s32 $0x8F2B, s0  }
0xbd: {  	[sflag:s0] =	ssyncadd.remote.s32 $0x1  }
0xbe: {  	_ =	sfence.sel $0xFFFF  }
0xbf: {  	[dreg:$0x0] =	wrdreg $0xFFFFFFFF;
	(pc) =	sbr.abs _section_cstart, $3  }
0xc0: {  	[dreg:$0x1] =	wrdreg $0xFFFFFFFF  }
0xc1: {  	_ =	task.clear_ibuf [dreg:s6], $0x2FFFF;
	_ =	strace $0x9FFFFFFF  }
0xc2: {  	(tm) =	ssettm $0x7FFFFFFF  }
0xc3: {  	_ =	shalt  }
tec
execute0_lowered:
.L_overlay_start_1:
0x0: {  	(tag) =	ssettag $0x1  }
0x1: {  	s5 =	rddreg [dreg:$0x0]  }
0x2: {  	s0 =	srdreg.scid;
	s2 =	rddreg [dreg:$0x1]  }
0x3: {  	s3 =	simm.s32 $0x0;
	s19 =	simm.s32 $0xE000;
	s20 =	simm.s32 $0x1  }
0x4: {  	s21 =	simm.s32 $0x5000;
	s22 =	simm.s32 $0x80;
	s4 =	sand.u32 $0x1, s0  }
0x5: {  	s23 =	simm.s32 $0xA000;
	s0 =	stileid.u32;
	s6 =	smul.u32 $0xA000, s4  }
0x6: {  	s24 =	simm.s32 $0xC000;
	s25 =	simm.s32 $0x2;
	s7 =	smul.u32 $0xA00, s0  }
0x7: {  	s26 =	simm.s32 $0x4F80;
	s28 =	simm.s32 $0x9F00;
	s8 =	smul.u32 $0x320, s0  }
0x8: {  	s29 =	simm.s32 $0x9F80;
	[smem:$0x7FF] =	sst s3;
	s9 =	smul.u32 $0x3200, s4  }
0x9: {  	_ =	strace $0x8000004A;
	s31 =	ssub.s32 $0x2, s4;
	s10 =	smul.u32 $0x32000, s0  }
0xa: {  	s4 =	sadd.s32 $0x20000, s5;
	s11 =	sshrl.u32 s31, $0x1;
	s6 =	sadd.s32 s7, s6  }
0xb: {  	s7 =	sadd.s32 s7, s5;
	s8 =	sadd.s32 s8, s9;
	s9 =	ssub.s32 s31, s11  }
0xc: {  	s10 =	sshrl.u32 s10, $0x2;
	s6 =	sadd.s32 s6, s5;
	s8 =	sshll.u32 s8, $0x3  }
0xd: {  	s9 =	smax.u32 s9, $0x1;
	s8 =	sadd.s32 s8, s5;
	s5 =	sadd.s32 $0xC000, s6  }
0xe: {  	s6 =	sadd.s32 $0x2000, s7;
	s7 =	sadd.s32 s10, s2;
	s8 =	sadd.s32 $0x47200, s8  }
0xf: {  	s10 =	sadd.s32 $0x1400, s7;
	s11 =	sadd.s32 $0x2800, s7;
	s12 =	sadd.s32 $0x3C00, s7  }
0x10: {  	s13 =	sadd.s32 $0x5000, s7;
	s14 =	sadd.s32 $0x6400, s7;
	s15 =	sadd.s32 $0x7800, s7  }
0x11: {  	v0 =	vimm.f32 $0.0e+00;
	s16 =	sadd.s32 $0x8C00, s7;
	s17 =	sadd.s32 $0xA000, s7;
	s18 =	sadd.s32 $0xB400, s7  }
.LBB2_1:
0x12: {  	s31 =	simm.s32 $0x100;
	s30 =	simm.s32 $0x0  }
.LBB2_2:
0x13: {  	p0 =	sne.s32 s31, $0x4F00;
	[tilespmem:s30+$0xE030] =	vst v0;
	s1 =	smov.u32 s31;
	s31 =	sadd.s32 $0x100, s31  }
.Ltmp0:
0x14: {  	[tilespmem:s30+$0xE020] =	vst v0;
	(pc) =	sbr.rel @p0 .LBB2_2-.Ltmp0, $3  }
0x15: {  	[tilespmem:s30+$0xE000] =	vst v0  }
0x16: {  	[tilespmem:s30+$0xE010] =	vst v0;
	_ =	sdelay $0x1  }
0x17: {  	s30 =	sshra.s32 s1, $0x2  }
0x18: {  	[tilespmem:s30+$0xE030] =	vst v0  }
0x19: {  	[tilespmem:s30+$0xE020] =	vst v0  }
0x1a: {  	[tilespmem:s30+$0xE000] =	vst v0  }
0x1b: {  	[tilespmem:s30+$0xE010] =	vst v0  }
0x1c: {  	[spmem:s7] =	stream.linear.scatter [tilespmem:s19], [sflag:$0x1], $0x1400, $0x38;
	[tilespmem:$0x1BC00] =	vst v63  }
0x1d: {  	_ =	swait.ge [sflag:s20], $0x1400  }
0x1e: {  	[sflag:s20] =	ssyncset.done $0x0  }
0x1f: {  	[sflag:s20] =	ssyncadd.s32 $0xFFFFEC00  }
0x20: {  	[spmem:s10] =	stream.linear.scatter [tilespmem:s19], [sflag:$0x1], $0x1400, $0x38;
	[tilespmem:$0x1BC00] =	vst v63  }
0x21: {  	_ =	swait.ge [sflag:s20], $0x1400  }
0x22: {  	[sflag:s20] =	ssyncset.done $0x0  }
0x23: {  	[sflag:s20] =	ssyncadd.s32 $0xFFFFEC00  }
0x24: {  	[spmem:s11] =	stream.linear.scatter [tilespmem:s19], [sflag:$0x1], $0x1400, $0x38;
	[tilespmem:$0x1BC00] =	vst v63  }
0x25: {  	_ =	swait.ge [sflag:s20], $0x1400  }
0x26: {  	[sflag:s20] =	ssyncset.done $0x0  }
0x27: {  	[sflag:s20] =	ssyncadd.s32 $0xFFFFEC00  }
0x28: {  	[spmem:s12] =	stream.linear.scatter [tilespmem:s19], [sflag:$0x1], $0x1400, $0x38;
	[tilespmem:$0x1BC00] =	vst v63  }
0x29: {  	_ =	swait.ge [sflag:s20], $0x1400  }
0x2a: {  	[sflag:s20] =	ssyncset.done $0x0  }
0x2b: {  	[sflag:s20] =	ssyncadd.s32 $0xFFFFEC00  }
0x2c: {  	[spmem:s13] =	stream.linear.scatter [tilespmem:s19], [sflag:$0x1], $0x1400, $0x38;
	[tilespmem:$0x1BC00] =	vst v63  }
0x2d: {  	_ =	swait.ge [sflag:s20], $0x1400  }
0x2e: {  	[sflag:s20] =	ssyncset.done $0x0  }
0x2f: {  	[sflag:s20] =	ssyncadd.s32 $0xFFFFEC00  }
0x30: {  	[spmem:s14] =	stream.linear.scatter [tilespmem:s19], [sflag:$0x1], $0x1400, $0x38;
	[tilespmem:$0x1BC00] =	vst v63  }
0x31: {  	_ =	swait.ge [sflag:s20], $0x1400  }
0x32: {  	[sflag:s20] =	ssyncset.done $0x0  }
0x33: {  	[sflag:s20] =	ssyncadd.s32 $0xFFFFEC00  }
0x34: {  	[spmem:s15] =	stream.linear.scatter [tilespmem:s19], [sflag:$0x1], $0x1400, $0x38;
	[tilespmem:$0x1BC00] =	vst v63  }
0x35: {  	_ =	swait.ge [sflag:s20], $0x1400  }
0x36: {  	[sflag:s20] =	ssyncset.done $0x0  }
0x37: {  	[sflag:s20] =	ssyncadd.s32 $0xFFFFEC00  }
0x38: {  	[spmem:s16] =	stream.linear.scatter [tilespmem:s19], [sflag:$0x1], $0x1400, $0x38;
	[tilespmem:$0x1BC00] =	vst v63  }
0x39: {  	_ =	swait.ge [sflag:s20], $0x1400  }
0x3a: {  	[sflag:s20] =	ssyncset.done $0x0  }
0x3b: {  	[sflag:s20] =	ssyncadd.s32 $0xFFFFEC00  }
0x3c: {  	[spmem:s17] =	stream.linear.scatter [tilespmem:s19], [sflag:$0x1], $0x1400, $0x38;
	[tilespmem:$0x1BC00] =	vst v63  }
0x3d: {  	_ =	swait.ge [sflag:s20], $0x1400  }
0x3e: {  	[sflag:s20] =	ssyncset.done $0x0  }
0x3f: {  	[sflag:s20] =	ssyncadd.s32 $0xFFFFEC00  }
0x40: {  	[spmem:s18] =	stream.linear.scatter [tilespmem:s19], [sflag:$0x1], $0x1400, $0x38;
	[tilespmem:$0x1BC00] =	vst v63  }
0x41: {  	_ =	swait.ge [sflag:s20], $0x1400  }
0x42: {  	[sflag:s20] =	ssyncset.done $0x0  }
0x43: {  	[sflag:s20] =	ssyncadd.s32 $0xFFFFEC00  }
0x44: {  	s1 =	simm.s32 $0x0;
	[bflag:$0x0] =	sbarrier.arrive $0xFFFF  }
0x45: {  	[tilespmem:s1], [sflag:$0x1] =	stream.linear.gather [hbm4b:s5+s1], $0x5000, $0x38;
	[tilespmem:$0x1BC00] =	vst v63  }
0x46: {  	_ =	swait.ge [sflag:s20], $0x5000  }
0x47: {  	[sflag:s20] =	ssyncset.done $0x0  }
0x48: {  	[sflag:s20] =	ssyncadd.s32 $0xFFFFB000  }
0x49: {  	[tilespmem:s21], [sflag:$0x1] =	stream.linear.gather [hbm4b:s6+s1], $0x5000, $0x38;
	[tilespmem:$0x1BC00] =	vst v63  }
0x4a: {  	_ =	swait.ge [sflag:s20], $0x5000  }
0x4b: {  	[sflag:s20] =	ssyncset.done $0x0  }
0x4c: {  	[sflag:s20] =	ssyncadd.s32 $0xFFFFB000  }
0x4d: {  	[tilespmem:s23], [sflag:$0x1] =	stream.indirect.gather [hbm4b:s4+s22], $0x40, s1, s22, $0xb8;
	[tilespmem:$0x1BC00] =	vst v63  }
0x4e: {  	_ =	swait.ge [sflag:s20], $0x2000  }
0x4f: {  	[sflag:s20] =	ssyncset.done $0x0  }
0x50: {  	s31 =	simm.s32 $0x80;
	[sflag:s20] =	ssyncadd.s32 $0xFFFFE000  }
0x51: {  	[tilespmem:s24], [sflag:$0x1] =	stream.indirect.gather [hbm4b:s4+s22], $0x40, s31, s22, $0xb8;
	[tilespmem:$0x1BC00] =	vst v63  }
0x52: {  	s31 =	simm.s32 $0x5000  }
0x53: {  	[spmem:s2] =	stream.indirect.scatter.add.f32 [tilespmem:s23], [sflag:$0x2], $0x40, s31, s22, $0xb8;
	[tilespmem:$0x1BC00] =	vst v63  }
0x54: {  	_ =	swait.ge [sflag:s25], $0x2000  }
0x55: {  	[sflag:s25] =	ssyncset.done $0x0  }
0x56: {  	[sflag:s25] =	ssyncadd.s32 $0xFFFFE000  }
0x57: {  	_ =	swait.ge [sflag:s20], $0x2000  }
0x58: {  	[sflag:s20] =	ssyncset.done $0x0  }
0x59: {  	s31 =	simm.s32 $0x100;
	[sflag:s20] =	ssyncadd.s32 $0xFFFFE000  }
0x5a: {  	[tilespmem:s23], [sflag:$0x1] =	stream.indirect.gather [hbm4b:s4+s22], $0x40, s31, s22, $0xb8;
	[tilespmem:$0x1BC00] =	vst v63  }
0x5b: {  	s31 =	simm.s32 $0x5080  }
0x5c: {  	[spmem:s2] =	stream.indirect.scatter.add.f32 [tilespmem:s24], [sflag:$0x2], $0x40, s31, s22, $0xb8;
	[tilespmem:$0x1BC00] =	vst v63  }
0x5d: {  	_ =	swait.ge [sflag:s25], $0x2000  }
0x5e: {  	s30 =	simm.s32 $0x400;
	[sflag:s25] =	ssyncset.done $0x0  }
.LBB2_4:
0x5f: {  	p0 =	sne.s32 s30, $0x13800  }
0x60: {  	[sflag:s25] =	ssyncadd.s32 $0xFFFFE000;
	s1 =	smov.u32 s30;
	s30 =	sadd.s32 $0x400, s30  }
0x61: {  	_ = 	snop  }
0x62: {  	_ =	swait.ge [sflag:s20], $0x2000  }
0x63: {  	s1 =	sshra.s32 s1, $0x2;
	[sflag:s20] =	ssyncset.done $0x0  }
0x64: {  	s31 =	sadd.s32 $0x80, s1;
	[sflag:s20] =	ssyncadd.s32 $0xFFFFE000  }
0x65: {  	[tilespmem:s24], [sflag:$0x1] =	stream.indirect.gather [hbm4b:s4+s22], $0x40, s31, s22, $0xb8;
	[tilespmem:$0x1BC00] =	vst v63  }
0x66: {  	s31 =	sadd.s32 $0x5000, s1  }
0x67: {  	[spmem:s2] =	stream.indirect.scatter.add.f32 [tilespmem:s23], [sflag:$0x2], $0x40, s31, s22, $0xb8;
	[tilespmem:$0x1BC00] =	vst v63  }
0x68: {  	_ =	swait.ge [sflag:s25], $0x2000  }
0x69: {  	[sflag:s25] =	ssyncset.done $0x0  }
0x6a: {  	[sflag:s25] =	ssyncadd.s32 $0xFFFFE000  }
0x6b: {  	_ =	swait.ge [sflag:s20], $0x2000  }
0x6c: {  	[sflag:s20] =	ssyncset.done $0x0  }
0x6d: {  	s31 =	sadd.s32 $0x100, s1;
	[sflag:s20] =	ssyncadd.s32 $0xFFFFE000  }
0x6e: {  	[tilespmem:s23], [sflag:$0x1] =	stream.indirect.gather [hbm4b:s4+s22], $0x40, s31, s22, $0xb8;
	[tilespmem:$0x1BC00] =	vst v63  }
.Ltmp1:
0x6f: {  	_ = 	snop;
	(pc) =	sbr.rel @p0 .LBB2_4-.Ltmp1, $4  }
0x70: {  	s1 =	sadd.s32 $0x5080, s1  }
0x71: {  	[spmem:s2] =	stream.indirect.scatter.add.f32 [tilespmem:s24], [sflag:$0x2], $0x40, s1, s22, $0xb8;
	[tilespmem:$0x1BC00] =	vst v63  }
0x72: {  	_ =	swait.ge [sflag:s25], $0x2000  }
0x73: {  	[sflag:s25] =	ssyncset.done $0x0  }
0x74: {  	[sflag:s25] =	ssyncadd.s32 $0xFFFFE000  }
0x75: {  	_ =	swait.ge [sflag:s20], $0x2000  }
0x76: {  	[sflag:s20] =	ssyncset.done $0x0  }
0x77: {  	[sflag:s20] =	ssyncadd.s32 $0xFFFFE000  }
0x78: {  	[tilespmem:s24], [sflag:$0x1] =	stream.indirect.gather [hbm4b:s4+s22], $0x40, s26, s22, $0xb8;
	[tilespmem:$0x1BC00] =	vst v63  }
0x79: {  	_ = 	snop  }
0x7a: {  	[spmem:s2] =	stream.indirect.scatter.add.f32 [tilespmem:s23], [sflag:$0x2], $0x40, s28, s22, $0xb8;
	[tilespmem:$0x1BC00] =	vst v63  }
0x7b: {  	_ =	swait.ge [sflag:s25], $0x2000  }
0x7c: {  	[sflag:s25] =	ssyncset.done $0x0  }
0x7d: {  	[sflag:s25] =	ssyncadd.s32 $0xFFFFE000  }
0x7e: {  	_ =	swait.ge [sflag:s20], $0x2000  }
0x7f: {  	[sflag:s20] =	ssyncset.done $0x0  }
0x80: {  	[sflag:s20] =	ssyncadd.s32 $0xFFFFE000  }
0x81: {  	[spmem:s2] =	stream.indirect.scatter.add.f32 [tilespmem:s24], [sflag:$0x2], $0x40, s29, s22, $0xb8;
	[tilespmem:$0x1BC00] =	vst v63  }
0x82: {  	_ =	swait.ge [sflag:s25], $0x2000  }
0x83: {  	s1 =	sshll.u32 s0, $0x6;
	s3 =	sadd.s32 $0x1, s3;
	[sflag:s25] =	ssyncset.done $0x0  }
0x84: {  	s30 =	sshrl.u32 s7, $0x3;
	p0 =	sne.s32 s3, s9;
	[sflag:s25] =	ssyncadd.s32 $0xFFFFE000  }
.Ltmp2:
0x85: {  	s1 =	sor.u32 $0x1C01, s1;
	[bflag:$0x0] =	sbarrier.arrive $0xFFFF;
	(pc) =	sbr.rel @p0 .LBB2_1-.Ltmp2, $4  }
0x86: {  	[hbm:s8], [sflag:s1] =	dma.local [spmem:s30], $0x1900  }
0x87: {  	_ =	swait.ge [sflag:s20], $0x1900  }
0x88: {  	[sflag:s20] =	ssyncset.done $0x0  }
0x89: {  	[sflag:s20] =	ssyncadd.s32 $0xFFFFE700  }
0x8a: {  	_ =	sfence.sel $0x180000  }
0x8b: {  	[bflag:$0x0] =	sbarrier.arrive $0xFFFF  }
0x8c: {  	_ =	strace $0x9000004A  }
0x8d: {  	[bflag:$0x2] =	sbarrier.arrive $0xFFFF  }
0x8e: {  	p0 =	sne.s32 s0, $0x0;
	s0 =	rddreg [dreg:$0x2]  }
0x8f: {  	s0 =	sadd.s32 @!p0 $0x100000, s0  }
0x90: {  	[sflag:s0] =	ssyncadd.tile.s32 @!p0 $0x1;
	_ =	shalt  }
.Lfunc_end2:
_tile_overlayer_lowered:
.L_overlay_start_2:
0x91: {  	(tag) =	ssettag $0x2  }
0x92: {  	s0 =	rddreg [dreg:$0x0];
	s2 =	stileid.u32  }
0x93: {  	s1 =	rddreg [dreg:$0x1];
	p0 =	sne.s32 s2, $0x0  }
0x94: {  	s3 =	rddreg [dreg:$0x2];
	[bflag:$0x3] =	sbarrier.arrive $0xFFFF;
	s2 =	simm.s32 @!p0 $0x1C01  }
0x95: {  	[timem:s3], [sflag:s2] =	dma.local @!p0 [hbm:s0], s1  }
0x96: {  	s0 =	simm.s32 @!p0 $0x1  }
0x97: {  	_ =	swait.ge @!p0 [sflag:s0], s1  }
0x98: {  	s1 =	ssub.s32 @!p0 $0x0, s1;
	[sflag:s0] =	ssyncset.done @!p0 $0x0  }
0x99: {  	[sflag:s0] =	ssyncadd.s32 @!p0 s1  }
0x9a: {  	[bflag:$0x3] =	sbarrier.arrive $0xFFFF  }
0x9b: {  	_ =	shalt  }

</sc_bundles>
